<compile_context>
chip_gen: v7x
topology: tpu7x:2x2x1
jax: 0.10.2.dev20260603
libtpu: 0.0.44.dev20260713+nightly
codegen_flags: <defaults>
</compile_context>

<pallas_src>
import functools

import jax
import jax.numpy as jnp
from jax import lax
from jax.experimental import pallas as pl
from jax.experimental.pallas import tpu as pltpu
from jax.experimental.pallas import tpu_sc as plsc

N = 51200
E = 819200
B = 16
T = 50
NPG = 64
H = 64
GCN_OUT = 4 * H
RNN_H = 2 * GCN_OUT
NUM_CLASSES = 10

NS = 16
NSTRIPE = N // NS
CH = 128
KCH = 8
KS = 4
EROWS = E // CH
NROWS = N // CH

_SC_MESH = plsc.VectorSubcoreMesh(core_axis_name="c", subcore_axis_name="s")
_SC_PARAMS = pltpu.CompilerParams(use_tc_tiling_on_sc=False)



KA = 5
KD = 20


def _sc_prep_body(feat2, emb2, dst2, zeros8, ones8,
                  x0_out, deg_out,
                  featv, gidx, rows, dsti, onesv, dacc, gsem, ssem, wsem):
    c = lax.axis_index("c")
    s = lax.axis_index("s")

    rows_per_sub = NSTRIPE // CH

    def block_a(i, carry):
        r0 = s * rows_per_sub + i * KA
        pltpu.sync_copy(feat2.at[pl.ds(r0, KA)], featv)
        for j in range(KA):
            for k in range(CH // 16):
                v = featv[j, pl.ds(k * 16, 16)]
                gidx[j, pl.ds(k * 16, 16)] = v + c * 257
        ghs = [pltpu.async_copy(emb2.at[gidx.at[j]], rows.at[j], gsem)
               for j in range(KA)]
        for h in ghs:
            h.wait()
        whs = [pltpu.async_copy(
                   rows.at[j],
                   x0_out.at[c, pl.ds(s * NSTRIPE + (i * KA + j) * CH, CH)],
                   wsem)
               for j in range(KA)]
        for h in whs:
            h.wait()
        return carry

    lax.fori_loop(0, rows_per_sub // KA, block_a, 0)

    pltpu.sync_copy(zeros8, dacc.at[pl.ds(s * NSTRIPE, NSTRIPE)])
    pltpu.sync_copy(ones8, onesv)
    plsc.subcore_barrier()

    w = s * 2 + c
    rows_per_w = EROWS // 32

    def block_b(i, carry):
        r0 = w * rows_per_w + i * KD
        pltpu.sync_copy(dst2.at[pl.ds(r0, KD)], dsti)
        hs = [pltpu.async_copy(onesv, dacc.at[dsti.at[j]], ssem, add=True)
              for j in range(KD)]
        for h in hs:
            h.wait()
        return carry

    lax.fori_loop(0, rows_per_w // KD, block_b, 0)
    plsc.subcore_barrier()
    pltpu.sync_copy(dacc.at[pl.ds(s * NSTRIPE, NSTRIPE)],
                    deg_out.at[c, pl.ds(s * NSTRIPE, NSTRIPE)])


@functools.partial(jax.jit)
def _sc_prep(feat2, emb2, dst2, zeros8, ones8):
    return pl.kernel(
        _sc_prep_body,
        out_type=(jax.ShapeDtypeStruct((2, N, 32), jnp.float32),
                  jax.ShapeDtypeStruct((2, N, 8), jnp.float32)),
        mesh=_SC_MESH,
        scratch_types=[
            pltpu.VMEM((KA, CH), jnp.int32),
            pltpu.VMEM((KA, CH), jnp.int32),
            pltpu.VMEM((KA, CH, 32), jnp.float32),
            pltpu.VMEM((KD, CH), jnp.int32),
            pltpu.VMEM((CH, 8), jnp.float32),
            pltpu.VMEM_SHARED((N, 8), jnp.float32),
            pltpu.SemaphoreType.DMA,
            pltpu.SemaphoreType.DMA,
            pltpu.SemaphoreType.DMA,
        ],
        compiler_params=_SC_PARAMS,
    )(feat2, emb2, dst2, zeros8, ones8)


CS = 80
KSB = 4
ESROWS = E // CS


def _sc_segsum_body(x2, src2, dst2, zeros32,
                    s_out,
                    srci, dsti, gidx, rows, acc, gsem, ssem):
    c = lax.axis_index("c")
    s = lax.axis_index("s")

    pltpu.sync_copy(zeros32, acc.at[pl.ds(s * NSTRIPE, NSTRIPE)])
    plsc.subcore_barrier()

    cbase = c * N
    rows_per_sub = ESROWS // NS
    nblocks = rows_per_sub // KSB
    base_r = s * rows_per_sub

    def load_idx(b, r0):
        pltpu.sync_copy(src2.at[pl.ds(r0, KSB)], srci.at[b])
        pltpu.sync_copy(dst2.at[pl.ds(r0, KSB)], dsti.at[b])

    def fire_g(b):
        for j in range(KSB):
            for k in range(CS // 16):
                v = srci[b, j, pl.ds(k * 16, 16)]
                gidx[b, j, pl.ds(k * 16, 16)] = v + cbase
        for j in range(KSB):
            pltpu.async_copy(x2.at[gidx.at[b, j]], rows.at[b, j], gsem)

    def wait_g(b):
        for j in range(KSB):
            pltpu.make_async_copy(x2.at[gidx.at[b, j]], rows.at[b, j], gsem).wait()

    def fire_s(b):
        for j in range(KSB):
            pltpu.async_copy(rows.at[b, j], acc.at[dsti.at[b, j]], ssem, add=True)

    def wait_s(b):
        for j in range(KSB):
            pltpu.make_async_copy(rows.at[b, j], acc.at[dsti.at[b, j]], ssem).wait()

    load_idx(0, base_r)
    fire_g(0)

    def blockpair(G, carry):
        for b in range(2):
            load_idx(1 - b, base_r + (2 * G + b + 1) * KSB)
            wait_g(b)
            fire_s(b)
            fire_g(1 - b)
            wait_s(b)
        return carry

    lax.fori_loop(0, nblocks // 2 - 1, blockpair, 0)

    load_idx(1, base_r + (nblocks - 1) * KSB)
    wait_g(0)
    fire_s(0)
    fire_g(1)
    wait_s(0)
    wait_g(1)
    fire_s(1)
    wait_s(1)

    plsc.subcore_barrier()
    pltpu.sync_copy(acc.at[pl.ds(s * NSTRIPE, NSTRIPE)],
                    s_out.at[c, pl.ds(s * NSTRIPE, NSTRIPE)])


@functools.partial(jax.jit)
def _sc_segsum(x2, src2, dst2, zeros32):
    return pl.kernel(
        _sc_segsum_body,
        out_type=jax.ShapeDtypeStruct((2, N, 32), jnp.float32),
        mesh=_SC_MESH,
        scratch_types=[
            pltpu.VMEM((2, KSB, CS), jnp.int32),
            pltpu.VMEM((2, KSB, CS), jnp.int32),
            pltpu.VMEM((2, KSB, CS), jnp.int32),
            pltpu.VMEM((2, KSB, CS, 32), jnp.float32),
            pltpu.VMEM_SHARED((N, 32), jnp.float32),
            pltpu.SemaphoreType.DMA,
            pltpu.SemaphoreType.DMA,
        ],
        compiler_params=_SC_PARAMS,
    )(x2, src2, dst2, zeros32)



_BS = 2048
_GRID1 = N // _BS


def _k1_body(xr, sr, dr, wsr, wnr, br, ar, tout, mout, acc):
    i = pl.program_id(0)
    x64 = jnp.concatenate([xr[0], xr[1]], axis=1)
    s64 = jnp.concatenate([sr[0], sr[1]], axis=1)
    deg = jnp.maximum(dr[0][:, 0:1] + dr[1][:, 0:1], 1.0)
    hn = s64 / deg
    t = (jnp.dot(x64, wsr[...], preferred_element_type=jnp.float32)
         + jnp.dot(hn, wnr[...], preferred_element_type=jnp.float32)
         + br[...])
    t = jnp.where(t >= 0, t, ar[...] * t)
    tout[...] = t

    @pl.when(i == 0)
    def _():
        acc[...] = jnp.zeros_like(acc)

    acc[0:1, :] += jnp.sum(t, axis=0, keepdims=True)
    acc[1:2, :] += jnp.sum(t * t, axis=0, keepdims=True)

    @pl.when(i == _GRID1 - 1)
    def _():
        mout[...] = acc[...]


def _k1(x, s, degc, wsT, wnT, b, a):
    return pl.pallas_call(
        _k1_body,
        grid=(_GRID1,),
        in_specs=[
            pl.BlockSpec((2, _BS, 32), lambda i: (0, i, 0)),
            pl.BlockSpec((2, _BS, 32), lambda i: (0, i, 0)),
            pl.BlockSpec((2, _BS, 8), lambda i: (0, i, 0)),
            pl.BlockSpec((64, 64), lambda i: (0, 0)),
            pl.BlockSpec((64, 64), lambda i: (0, 0)),
            pl.BlockSpec((1, 64), lambda i: (0, 0)),
            pl.BlockSpec((1, 64), lambda i: (0, 0)),
        ],
        out_specs=[
            pl.BlockSpec((_BS, 64), lambda i: (i, 0)),
            pl.BlockSpec((2, 64), lambda i: (0, 0)),
        ],
        out_shape=[
            jax.ShapeDtypeStruct((N, 64), jnp.float32),
            jax.ShapeDtypeStruct((2, 64), jnp.float32),
        ],
        scratch_shapes=[pltpu.VMEM((2, 64), jnp.float32)],
    )(x, s, degc, wsT, wnT, b, a)


def _k2_body(tr, momr, gr, betr, gmr, xout, pout):
    m = momr[0:1, :] * (1.0 / N)
    v = momr[1:2, :] * (1.0 / N) - m * m
    sc = gr[...] * lax.rsqrt(v + 1e-5)
    xn = (tr[...] - m) * sc + betr[...]
    xout[...] = jnp.stack([xn[:, :32], xn[:, 32:]], axis=0)
    pout[...] = jnp.dot(gmr[...], xn, preferred_element_type=jnp.float32)


def _k2(t, mom, g, beta, gmat):
    return pl.pallas_call(
        _k2_body,
        grid=(_GRID1,),
        in_specs=[
            pl.BlockSpec((_BS, 64), lambda i: (i, 0)),
            pl.BlockSpec((2, 64), lambda i: (0, 0)),
            pl.BlockSpec((1, 64), lambda i: (0, 0)),
            pl.BlockSpec((1, 64), lambda i: (0, 0)),
            pl.BlockSpec((_BS // NPG, _BS), lambda i: (0, 0)),
        ],
        out_specs=[
            pl.BlockSpec((2, _BS, 32), lambda i: (0, i, 0)),
            pl.BlockSpec((_BS // NPG, 64), lambda i: (i, 0)),
        ],
        out_shape=[
            jax.ShapeDtypeStruct((2, N, 32), jnp.float32),
            jax.ShapeDtypeStruct((B * T, 64), jnp.float32),
        ],
    )(t, mom, g, beta, gmat)


def _filter_body(h0, h1, h2, h3, p0, p1, p2, p3,
                 w11, b11, a1, w12, b12,
                 w21, b21, a2, w22, b22, gout):
    hx = jnp.concatenate([h0[...], h1[...], h2[...], h3[...]], axis=1)
    px = jnp.concatenate([p0[...], p1[...], p2[...], p3[...]], axis=1)
    t1 = jnp.dot(hx, w11[...], preferred_element_type=jnp.float32) + b11[...]
    t1 = jnp.where(t1 >= 0, t1, a1[...] * t1)
    z1 = jax.nn.sigmoid(
        jnp.dot(t1, w12[...], preferred_element_type=jnp.float32) + b12[...]) * px
    t2 = jnp.dot(px, w21[...], preferred_element_type=jnp.float32) + b21[...]
    t2 = jnp.where(t2 >= 0, t2, a2[...] * t2)
    z2 = jax.nn.sigmoid(
        jnp.dot(t2, w22[...], preferred_element_type=jnp.float32) + b22[...]) * hx
    gout[...] = jnp.concatenate([z1, z2], axis=1)


def _filter(hp, pp, w11, b11, a1, w12, b12, w21, b21, a2, w22, b22):
    full = lambda shape: pl.BlockSpec(shape, lambda: (0,) * len(shape))
    return pl.pallas_call(
        _filter_body,
        in_specs=[full((B * T, 64))] * 8 + [
            full((256, 256)), full((1, 256)), full((B * T, 1)),
            full((256, 256)), full((1, 256)),
            full((256, 256)), full((1, 256)), full((B * T, 1)),
            full((256, 256)), full((1, 256)),
        ],
        out_specs=full((B * T, 512)),
        out_shape=jax.ShapeDtypeStruct((B * T, 512), jnp.float32),
    )(*hp, *pp, w11, b11, a1, w12, b12, w21, b21, a2, w22, b22)


def _gates1_body(xr, wr, br, out):
    out[...] = jnp.dot(xr[...], wr[...], preferred_element_type=jnp.float32) + br[...]


def _gates1(x, wT, bias):
    return pl.pallas_call(
        _gates1_body,
        grid=(2, 2),
        in_specs=[
            pl.BlockSpec((B * T // 2, 512), lambda i, j: (i, 0)),
            pl.BlockSpec((512, 4 * RNN_H // 2), lambda i, j: (0, j)),
            pl.BlockSpec((1, 4 * RNN_H // 2), lambda i, j: (0, j)),
        ],
        out_specs=pl.BlockSpec((B * T // 2, 4 * RNN_H // 2), lambda i, j: (i, j)),
        out_shape=jax.ShapeDtypeStruct((B * T, 4 * RNN_H), jnp.float32),
    )(x, wT, bias)


def _gates2_body(xa, xb, wa, wb, br, out):
    out[...] = (jnp.dot(xa[...], wa[...], preferred_element_type=jnp.float32)
                + jnp.dot(xb[...], wb[...], preferred_element_type=jnp.float32)
                + br[...])


def _gates2(xa, xb, waT, wbT, bias):
    return pl.pallas_call(
        _gates2_body,
        grid=(2, 2),
        in_specs=[
            pl.BlockSpec((B * T // 2, 512), lambda i, j: (i, 0)),
            pl.BlockSpec((B * T // 2, 512), lambda i, j: (i, 0)),
            pl.BlockSpec((512, 4 * RNN_H // 2), lambda i, j: (0, j)),
            pl.BlockSpec((512, 4 * RNN_H // 2), lambda i, j: (0, j)),
            pl.BlockSpec((1, 4 * RNN_H // 2), lambda i, j: (0, j)),
        ],
        out_specs=pl.BlockSpec((B * T // 2, 4 * RNN_H // 2), lambda i, j: (i, j)),
        out_shape=jax.ShapeDtypeStruct((B * T, 4 * RNN_H), jnp.float32),
    )(xa, xb, waT, wbT, bias)


def _cell(gates, c_prev):
    i_ = jax.nn.sigmoid(gates[:, 0:RNN_H])
    f_ = jax.nn.sigmoid(gates[:, RNN_H:2 * RNN_H])
    g_ = jnp.tanh(gates[:, 2 * RNN_H:3 * RNN_H])
    o_ = jax.nn.sigmoid(gates[:, 3 * RNN_H:4 * RNN_H])
    c_new = f_ * c_prev + i_ * g_
    h_new = o_ * jnp.tanh(c_new)
    return h_new, c_new


def _lstm0_body(gxf, gxb, whf, whb, yf, yb, hf, cf, hb, cb):
    t = pl.program_id(0)

    @pl.when(t == 0)
    def _():
        hf[...] = jnp.zeros_like(hf)
        cf[...] = jnp.zeros_like(cf)
        hb[...] = jnp.zeros_like(hb)
        cb[...] = jnp.zeros_like(cb)

    gf = gxf[0] + jnp.dot(hf[...], whf[...], preferred_element_type=jnp.float32)
    h_new, c_new = _cell(gf, cf[...])
    hf[...] = h_new
    cf[...] = c_new
    yf[0] = h_new

    gb = gxb[0] + jnp.dot(hb[...], whb[...], preferred_element_type=jnp.float32)
    h_new, c_new = _cell(gb, cb[...])
    hb[...] = h_new
    cb[...] = c_new
    yb[0] = h_new


def _lstm0(gxf, gxb, whfT, whbT):
    return pl.pallas_call(
        _lstm0_body,
        grid=(T,),
        in_specs=[
            pl.BlockSpec((1, B, 4 * RNN_H), lambda t: (t, 0, 0)),
            pl.BlockSpec((1, B, 4 * RNN_H), lambda t: (T - 1 - t, 0, 0)),
            pl.BlockSpec((RNN_H, 4 * RNN_H), lambda t: (0, 0)),
            pl.BlockSpec((RNN_H, 4 * RNN_H), lambda t: (0, 0)),
        ],
        out_specs=[
            pl.BlockSpec((1, B, RNN_H), lambda t: (t, 0, 0)),
            pl.BlockSpec((1, B, RNN_H), lambda t: (T - 1 - t, 0, 0)),
        ],
        out_shape=[
            jax.ShapeDtypeStruct((T, B, RNN_H), jnp.float32),
            jax.ShapeDtypeStruct((T, B, RNN_H), jnp.float32),
        ],
        scratch_shapes=[pltpu.VMEM((B, RNN_H), jnp.float32)] * 4,
    )(gxf, gxb, whfT, whbT)


def _lstm1_body(gxf, gxb, whf, whb, hfo, hbo, hf, cf, hb, cb):
    t = pl.program_id(0)

    @pl.when(t == 0)
    def _():
        hf[...] = jnp.zeros_like(hf)
        cf[...] = jnp.zeros_like(cf)
        hb[...] = jnp.zeros_like(hb)
        cb[...] = jnp.zeros_like(cb)

    gf = gxf[0] + jnp.dot(hf[...], whf[...], preferred_element_type=jnp.float32)
    h_new, c_new = _cell(gf, cf[...])
    hf[...] = h_new
    cf[...] = c_new

    gb = gxb[0] + jnp.dot(hb[...], whb[...], preferred_element_type=jnp.float32)
    h_newb, c_newb = _cell(gb, cb[...])
    hb[...] = h_newb
    cb[...] = c_newb

    @pl.when(t == T - 1)
    def _():
        hfo[...] = h_new
        hbo[...] = h_newb


def _lstm1(gxf, gxb, whfT, whbT):
    return pl.pallas_call(
        _lstm1_body,
        grid=(T,),
        in_specs=[
            pl.BlockSpec((1, B, 4 * RNN_H), lambda t: (t, 0, 0)),
            pl.BlockSpec((1, B, 4 * RNN_H), lambda t: (T - 1 - t, 0, 0)),
            pl.BlockSpec((RNN_H, 4 * RNN_H), lambda t: (0, 0)),
            pl.BlockSpec((RNN_H, 4 * RNN_H), lambda t: (0, 0)),
        ],
        out_specs=[
            pl.BlockSpec((B, RNN_H), lambda t: (0, 0)),
            pl.BlockSpec((B, RNN_H), lambda t: (0, 0)),
        ],
        out_shape=[
            jax.ShapeDtypeStruct((B, RNN_H), jnp.float32),
            jax.ShapeDtypeStruct((B, RNN_H), jnp.float32),
        ],
        scratch_shapes=[pltpu.VMEM((B, RNN_H), jnp.float32)] * 4,
    )(gxf, gxb, whfT, whbT)


def _head_body(hb, hf, wfa, wfb, bfc, afc, wcls, bcls, out):
    o = (jnp.dot(hb[...], wfa[...], preferred_element_type=jnp.float32)
         + jnp.dot(hf[...], wfb[...], preferred_element_type=jnp.float32)
         + bfc[...])
    o = jnp.where(o >= 0, o, afc[...] * o)
    out[...] = jnp.dot(o, wcls[...], preferred_element_type=jnp.float32) + bcls[...]


def _head(h1b, h1f, wfaT, wfbT, bfc, afc, wclsT, bcls):
    full = lambda shape: pl.BlockSpec(shape, lambda: (0,) * len(shape))
    return pl.pallas_call(
        _head_body,
        in_specs=[
            full((B, RNN_H)), full((B, RNN_H)),
            full((RNN_H, GCN_OUT)), full((RNN_H, GCN_OUT)),
            full((1, GCN_OUT)), full((1, GCN_OUT)),
            full((GCN_OUT, NUM_CLASSES)), full((1, NUM_CLASSES)),
        ],
        out_specs=full((B, NUM_CLASSES)),
        out_shape=jax.ShapeDtypeStruct((B, NUM_CLASSES), jnp.float32),
    )(h1b, h1f, wfaT, wfbT, bfc, afc, wclsT, bcls)




def _run_gcn_pair(gps, feats, eis, zeros8, ones8, zeros32, gmat):
    xs, degs, srcs, dsts = [], [], [], []
    for gp, feat, ei in zip(gps, feats, eis):
        src = ei[0].astype(jnp.int32)
        dst = ei[1].astype(jnp.int32)
        feat2 = feat.astype(jnp.int32).reshape(NROWS, CH)
        dst2 = dst.reshape(EROWS, CH)
        emb2 = jnp.transpose(gp["emb"].reshape(257, 2, 32), (1, 0, 2)).reshape(514, 32)
        x, degc = _sc_prep(feat2, emb2, dst2, zeros8, ones8)
        xs.append(x)
        degs.append(degc)
        srcs.append(src.reshape(ESROWS, CS))
        dsts.append(dst.reshape(ESROWS, CS))

    pooled = [[], []]
    for i in range(4):
        ss = [_sc_segsum(xs[g].reshape(2 * N, 32), srcs[g], dsts[g], zeros32)
              for g in range(2)]
        for g in range(2):
            gp = gps[g]
            t, mom = _k1(xs[g], ss[g], degs[g],
                         gp["Wself%d" % i].T, gp["Wneigh%d" % i].T,
                         gp["b%d" % i].reshape(1, 64), gp["a%d" % i].reshape(1, 64))
            xs[g], pi = _k2(t, mom, gp["gamma%d" % i].reshape(1, 64),
                            gp["beta%d" % i].reshape(1, 64), gmat)
            pooled[g].append(pi)
    return pooled


def kernel(params, header_feat, header_edge_index, payload_feat,
           payload_edge_index, labels):
    p = params
    zeros8 = jnp.zeros((NSTRIPE, 8), jnp.float32)
    ones8 = jnp.ones((CH, 8), jnp.float32)
    zeros32 = jnp.zeros((NSTRIPE, 32), jnp.float32)
    gmat = jnp.kron(jnp.eye(_BS // NPG, dtype=jnp.float32),
                    jnp.ones((1, NPG), jnp.float32)) * (1.0 / NPG)

    hp, pp = _run_gcn_pair((p["hg"], p["pg"]),
                           (header_feat, payload_feat),
                           (header_edge_index, payload_edge_index),
                           zeros8, ones8, zeros32, gmat)

    a1r = jnp.tile(p["f1a"], B).reshape(B * T, 1)
    a2r = jnp.tile(p["f2a"], B).reshape(B * T, 1)
    g = _filter(hp, pp,
                p["f1W1"].T, p["f1b1"].reshape(1, 256), a1r,
                p["f1W2"].T, p["f1b2"].reshape(1, 256),
                p["f2W1"].T, p["f2b1"].reshape(1, 256), a2r,
                p["f2W2"].T, p["f2b2"].reshape(1, 256))

    xs_flat = jnp.transpose(g.reshape(B, T, 512), (1, 0, 2)).reshape(B * T, 512)

    l0f, l0b = p["lstm0f"], p["lstm0b"]
    gx0f = _gates1(xs_flat, l0f["Wih"].T,
                   (l0f["bih"] + l0f["bhh"]).reshape(1, 4 * RNN_H))
    gx0b = _gates1(xs_flat, l0b["Wih"].T,
                   (l0b["bih"] + l0b["bhh"]).reshape(1, 4 * RNN_H))
    y0f, y0b = _lstm0(gx0f.reshape(T, B, 4 * RNN_H),
                      gx0b.reshape(T, B, 4 * RNN_H),
                      l0f["Whh"].T, l0b["Whh"].T)

    l1f, l1b = p["lstm1f"], p["lstm1b"]
    y0f_flat = y0f.reshape(B * T, RNN_H)
    y0b_flat = y0b.reshape(B * T, RNN_H)
    w1f = l1f["Wih"].T
    w1b = l1b["Wih"].T
    gx1f = _gates2(y0f_flat, y0b_flat, w1f[:RNN_H], w1f[RNN_H:],
                   (l1f["bih"] + l1f["bhh"]).reshape(1, 4 * RNN_H))
    gx1b = _gates2(y0f_flat, y0b_flat, w1b[:RNN_H], w1b[RNN_H:],
                   (l1b["bih"] + l1b["bhh"]).reshape(1, 4 * RNN_H))
    h1f, h1b = _lstm1(gx1f.reshape(T, B, 4 * RNN_H),
                      gx1b.reshape(T, B, 4 * RNN_H),
                      l1f["Whh"].T, l1b["Whh"].T)

    wfcT = p["Wfc"].T
    return _head(h1b, h1f, wfcT[:RNN_H], wfcT[RNN_H:],
                 p["bfc"].reshape(1, GCN_OUT), p["afc"].reshape(1, GCN_OUT),
                 p["Wcls"].T, p["bcls"].reshape(1, NUM_CLASSES))

# --- scband reference (transcript-rebuilt; emitter-appended) ---
"""Pipeline reference for scband-mix-temporal-gnn-53721450938626 (READ-ONLY COPY).

The authoritative reference and input builder live on the scoring server;
editing this copy changes nothing except your own understanding.
"""

import jax, jax.numpy as jnp
import numpy as np

N = 51200
E = 819200
B = 16
T = 50
NPG = 64
EMB = 64
H = 64
GCN_OUT = 4 * H
RNN_H = 2 * GCN_OUT
NUM_CLASSES = 10


def _gcn_params(key):
    ks = jax.random.split(key, 9)
    p = {"emb": jax.random.normal(ks[0], (257, EMB), jnp.float32) * 0.1}
    for i in range(4):
        in_dim = EMB if i == 0 else H
        kk = jax.random.split(ks[i + 1], 2)
        p["Wself%d" % i] = jax.random.normal(kk[0], (H, in_dim), jnp.float32) / np.sqrt(in_dim)
        p["Wneigh%d" % i] = jax.random.normal(kk[1], (H, in_dim), jnp.float32) / np.sqrt(in_dim)
        p["b%d" % i] = jnp.zeros((H,), jnp.float32)
        p["a%d" % i] = 0.25 * jnp.ones((H,), jnp.float32)
        p["gamma%d" % i] = jnp.ones((H,), jnp.float32)
        p["beta%d" % i] = jnp.zeros((H,), jnp.float32)
    return p


def _lstm_cell_params(key, in_dim):
    ks = jax.random.split(key, 4)
    s = 1.0 / np.sqrt(RNN_H)
    return {
        "Wih": jax.random.uniform(ks[0], (4 * RNN_H, in_dim), jnp.float32, -s, s),
        "Whh": jax.random.uniform(ks[1], (4 * RNN_H, RNN_H), jnp.float32, -s, s),
        "bih": jax.random.uniform(ks[2], (4 * RNN_H,), jnp.float32, -s, s),
        "bhh": jax.random.uniform(ks[3], (4 * RNN_H,), jnp.float32, -s, s),
    }


def setup_inputs(seed: int = 0):
    key = jax.random.key(seed)
    ks = jax.random.split(key, 24)
    header_feat = jax.random.randint(ks[0], (N,), 0, 257)
    header_edge_index = jax.random.randint(ks[1], (2, E), 0, N)
    payload_feat = jax.random.randint(ks[2], (N,), 0, 257)
    payload_edge_index = jax.random.randint(ks[3], (2, E), 0, N)
    labels = jax.random.randint(ks[4], (B,), 0, NUM_CLASSES)

    def lin(k, out_d, in_d):
        return jax.random.normal(k, (out_d, in_d), jnp.float32) / np.sqrt(in_d)

    params = {
        "hg": _gcn_params(ks[5]),
        "pg": _gcn_params(ks[6]),
        "f1W1": lin(ks[7], GCN_OUT, GCN_OUT), "f1b1": jnp.zeros((GCN_OUT,), jnp.float32),
        "f1a": 0.25 * jnp.ones((T,), jnp.float32),
        "f1W2": lin(ks[8], GCN_OUT, GCN_OUT), "f1b2": jnp.zeros((GCN_OUT,), jnp.float32),
        "f2W1": lin(ks[9], GCN_OUT, GCN_OUT), "f2b1": jnp.zeros((GCN_OUT,), jnp.float32),
        "f2a": 0.25 * jnp.ones((T,), jnp.float32),
        "f2W2": lin(ks[10], GCN_OUT, GCN_OUT), "f2b2": jnp.zeros((GCN_OUT,), jnp.float32),
        "lstm0f": _lstm_cell_params(ks[11], RNN_H),
        "lstm0b": _lstm_cell_params(ks[12], RNN_H),
        "lstm1f": _lstm_cell_params(ks[13], 2 * RNN_H),
        "lstm1b": _lstm_cell_params(ks[14], 2 * RNN_H),
        "Wfc": lin(ks[15], GCN_OUT, 4 * GCN_OUT), "bfc": jnp.zeros((GCN_OUT,), jnp.float32),
        "afc": 0.25 * jnp.ones((GCN_OUT,), jnp.float32),
        "Wcls": lin(ks[16], NUM_CLASSES, GCN_OUT), "bcls": jnp.zeros((NUM_CLASSES,), jnp.float32),
    }
    return {"params": params, "header_feat": header_feat, "header_edge_index": header_edge_index,
            "payload_feat": payload_feat, "payload_edge_index": payload_edge_index, "labels": labels}


def _bn(x, g, b):
    m = x.mean(0)
    v = ((x - m) ** 2).mean(0)
    return (x - m) / jnp.sqrt(v + 1e-5) * g + b


def _run_gcn(p, feat, ei):
    src, dst = ei[0], ei[1]
    x = p["emb"][feat]
    deg = jax.ops.segment_sum(jnp.ones((src.shape[0],), jnp.float32), dst, num_segments=N)
    deg = jnp.maximum(deg, 1.0)[:, None]
    hs = []
    for i in range(4):
        s = jax.ops.segment_sum(x[src], dst, num_segments=N)
        hn = s / deg
        r = x @ p["Wself%d" % i].T + hn @ p["Wneigh%d" % i].T + p["b%d" % i]
        r = jnp.where(r >= 0, r, p["a%d" % i] * r)
        r = _bn(r, p["gamma%d" % i], p["beta%d" % i])
        hs.append(r)
        x = r
    hcat = jnp.concatenate(hs, axis=1)
    gid = jnp.arange(N) // NPG
    gvec = jax.ops.segment_sum(hcat, gid, num_segments=B * T) / float(NPG)
    return gvec.reshape(B, T, GCN_OUT)


def _filter_branch(x, W1, b1, a, W2, b2):
    h = x @ W1.T + b1
    h = jnp.where(h >= 0, h, a[None, :, None] * h)
    return h @ W2.T + b2


def _lstm_dir(xs, cp, reverse):
    Bb = xs.shape[1]

    def step(carry, xt):
        h, c = carry
        g = xt @ cp["Wih"].T + cp["bih"] + h @ cp["Whh"].T + cp["bhh"]
        i_, f_, g_, o_ = jnp.split(g, 4, axis=-1)
        c = jax.nn.sigmoid(f_) * c + jax.nn.sigmoid(i_) * jnp.tanh(g_)
        h = jax.nn.sigmoid(o_) * jnp.tanh(c)
        return (h, c), h

    seq = xs[::-1] if reverse else xs
    init = (jnp.zeros((Bb, RNN_H), xs.dtype), jnp.zeros((Bb, RNN_H), xs.dtype))
    (hT, cT), ys = jax.lax.scan(step, init, seq)
    if reverse:
        ys = ys[::-1]
    return ys, hT


def _forward(params, header_feat, header_edge_index, payload_feat, payload_edge_index):
    hx = _run_gcn(params["hg"], header_feat, header_edge_index)
    px = _run_gcn(params["pg"], payload_feat, payload_edge_index)
    z1 = jax.nn.sigmoid(_filter_branch(hx, params["f1W1"], params["f1b1"], params["f1a"], params["f1W2"], params["f1b2"])) * px
    z2 = jax.nn.sigmoid(_filter_branch(px, params["f2W1"], params["f2b1"], params["f2a"], params["f2W2"], params["f2b2"])) * hx
    g = jnp.concatenate([z1, z2], axis=-1)
    xs = jnp.transpose(g, (1, 0, 2))
    y0f, h0f = _lstm_dir(xs, params["lstm0f"], False)
    y0b, h0b = _lstm_dir(xs, params["lstm0b"], True)
    x1 = jnp.concatenate([y0f, y0b], axis=-1)
    y1f, h1f = _lstm_dir(x1, params["lstm1f"], False)
    y1b, h1b = _lstm_dir(x1, params["lstm1b"], True)
    rnn_out = jnp.concatenate([h1b, h1f], axis=1)
    o = rnn_out @ params["Wfc"].T + params["bfc"]
    o = jnp.where(o >= 0, o, params["afc"] * o)
    return o @ params["Wcls"].T + params["bcls"]


def reference(params, header_feat, header_edge_index, payload_feat, payload_edge_index, labels):
    return _forward(params, header_feat, header_edge_index, payload_feat, payload_edge_index)

if __name__ == "__main__":
    import jax
    _d = setup_inputs()
    print(jax.jit(kernel)(*tuple(_d.values())))

</pallas_src>

<mosaic_0001>
#map = affine_map<(d0, d1) -> (0, 0)>
#map1 = affine_map<(d0, d1) -> (0, 0, 0)>
module attributes {stable_mosaic.version = 14 : i64} {
  func.func @_sc_prep_body(%arg0: i32, %arg1: i32, %arg2: memref<400x128xi32, #tpu.memory_space<hbm>>, %arg3: memref<514x32xf32, #tpu.memory_space<hbm>>, %arg4: memref<6400x128xi32, #tpu.memory_space<hbm>>, %arg5: memref<3200x8xf32, #tpu.memory_space<hbm>>, %arg6: memref<128x8xf32, #tpu.memory_space<hbm>>, %arg7: memref<2x51200x32xf32, #tpu.memory_space<hbm>>, %arg8: memref<2x51200x8xf32, #tpu.memory_space<hbm>>, %arg9: memref<5x128xi32, #tpu.memory_space<vmem>>, %arg10: memref<5x128xi32, #tpu.memory_space<vmem>>, %arg11: memref<5x128x32xf32, #tpu.memory_space<vmem>>, %arg12: memref<20x128xi32, #tpu.memory_space<vmem>>, %arg13: memref<128x8xf32, #tpu.memory_space<vmem>>, %arg14: memref<51200x8xf32, #tpu.memory_space<vmem_shared>>, %arg15: memref<!tpu.dma_semaphore, #tpu.memory_space<semaphore_mem>>, %arg16: memref<!tpu.dma_semaphore, #tpu.memory_space<semaphore_mem>>, %arg17: memref<!tpu.dma_semaphore, #tpu.memory_space<semaphore_mem>>) attributes {dimension_semantics = [#tpu.dimension_semantics<core_parallel>, #tpu.dimension_semantics<subcore_parallel>], iteration_bounds = array<i64: 2, 16>, scalar_prefetch = 0 : i64, scratch_operands = 9 : i64, tpu.core_type = #tpu.core_type<sc_vector_subcore>, window_params = [{transform_indices = #map}, {transform_indices = #map}, {transform_indices = #map}, {transform_indices = #map}, {transform_indices = #map}, {transform_indices = #map1}, {transform_indices = #map1}]} {
    %scan3A = arith.constant 0 : i32
    %scan3A_0 = arith.constant 0 : i32
    %scan3A_1 = arith.constant 5 : i32
    %scan3A_2 = arith.addi %scan3A_0, %scan3A_1 : i32
    %scan3A_3 = arith.constant 1 : i32
    scf.for %scan3A_19 = %scan3A_0 to %scan3A_2 step %scan3A_3  : i32 {
      %mul3A_20 = arith.constant 25 : i32
      %mul3A_21 = arith.muli %arg1, %mul3A_20 : i32
      %mul3A_22 = arith.constant 5 : i32
      %mul3A_23 = arith.muli %scan3A_19, %mul3A_22 : i32
      %add3A_24 = arith.addi %mul3A_21, %mul3A_23 : i32
      "tpu.region"() ({
        %run_scoped3A = tpu.sem_alloc : memref<!tpu.dma_semaphore, #tpu.memory_space<semaphore_mem>>
        %dma_start3A_936 = arith.constant 0 : i32
        %dma_start3A_937 = tpu.memref_slice %arg2[%add3A_24, %dma_start3A_936] : memref<400x128xi32, #tpu.memory_space<hbm>> -> memref<5x128xi32, #tpu.memory_space<hbm>>
        %dma_start3A_938 = arith.constant 0 : i32
        %dma_start3A_939 = tpu.memref_slice %arg2[%add3A_24, %dma_start3A_938] : memref<400x128xi32, #tpu.memory_space<hbm>> -> memref<5x128xi32, #tpu.memory_space<hbm>>
        tpu.enqueue_dma source(%dma_start3A_939 : memref<5x128xi32, #tpu.memory_space<hbm>>) target(%arg9 : memref<5x128xi32, #tpu.memory_space<vmem>>) target_semaphore(%run_scoped3A : memref<!tpu.dma_semaphore, #tpu.memory_space<semaphore_mem>>)
        %dma_wait3A_940 = arith.constant 0 : i32
        %dma_wait3A_941 = tpu.memref_slice %arg2[%add3A_24, %dma_wait3A_940] : memref<400x128xi32, #tpu.memory_space<hbm>> -> memref<5x128xi32, #tpu.memory_space<hbm>>
        %dma_wait3A_942 = arith.constant 0 : i32
        %dma_wait3A_943 = tpu.memref_slice %arg2[%add3A_24, %dma_wait3A_942] : memref<400x128xi32, #tpu.memory_space<hbm>> -> memref<5x128xi32, #tpu.memory_space<hbm>>
        tpu.wait_dma2 semaphore(%run_scoped3A : memref<!tpu.dma_semaphore, #tpu.memory_space<semaphore_mem>>) src(%dma_wait3A_943 : memref<5x128xi32, #tpu.memory_space<hbm>>) dst(%arg9 : memref<5x128xi32, #tpu.memory_space<vmem>>)
        tpu.yield
      }) : () -> ()
      %get3A = arith.constant 0 : i32
      %get3A_25 = arith.index_cast %get3A : i32 to index
      %get3A_26 = arith.constant 0 : index
      %get3A_27 = tpu.vector_load %arg9[%get3A_25, %get3A_26] {strides = array<i32>} : memref<5x128xi32, #tpu.memory_space<vmem>>, vector<1x16xi32>,
      %get3A_28 = vector.shape_cast %get3A_27 : vector<1x16xi32> to vector<16xi32>
      %mul3A_29 = arith.constant 257 : i32
      %mul3A_30 = arith.muli %arg0, %mul3A_29 : i32
      %add3A_31 = vector.broadcast %mul3A_30 : i32 to vector<16xi32>
      %add3A_32 = arith.addi %get3A_28, %add3A_31 : vector<16xi32>
      %swap3A = arith.constant 0 : i32
      %swap3A_33 = arith.index_cast %swap3A : i32 to index
      %swap3A_34 = arith.constant 0 : index
      %swap3A_35 = tpu.vector_load %arg10[%swap3A_33, %swap3A_34] {strides = array<i32>} : memref<5x128xi32, #tpu.memory_space<vmem>>, vector<1x16xi32>,
      %swap3A_36 = vector.shape_cast %swap3A_35 : vector<1x16xi32> to vector<16xi32>
      %swap3A_37 = vector.shape_cast %add3A_32 : vector<16xi32> to vector<1x16xi32>
      tpu.vector_store %arg10[%swap3A_33, %swap3A_34], %swap3A_37 {strides = array<i32>} : memref<5x128xi32, #tpu.memory_space<vmem>>, vector<1x16xi32>,
      %get3A_38 = arith.constant 0 : i32
      %get3A_39 = arith.index_cast %get3A_38 : i32 to index
      %get3A_40 = arith.constant 16 : index
      %get3A_41 = tpu.vector_load %arg9[%get3A_39, %get3A_40] {strides = array<i32>} : memref<5x128xi32, #tpu.memory_space<vmem>>, vector<1x16xi32>,
      %get3A_42 = vector.shape_cast %get3A_41 : vector<1x16xi32> to vector<16xi32>
      %mul3A_43 = arith.constant 257 : i32
      %mul3A_44 = arith.muli %arg0, %mul3A_43 : i32
      %add3A_45 = vector.broadcast %mul3A_44 : i32 to vector<16xi32>
      %add3A_46 = arith.addi %get3A_42, %add3A_45 : vector<16xi32>
      %swap3A_47 = arith.constant 0 : i32
      %swap3A_48 = arith.index_cast %swap3A_47 : i32 to index
      %swap3A_49 = arith.constant 16 : index
      %swap3A_50 = tpu.vector_load %arg10[%swap3A_48, %swap3A_49] {strides = array<i32>} : memref<5x128xi32, #tpu.memory_space<vmem>>, vector<1x16xi32>,
      %swap3A_51 = vector.shape_cast %swap3A_50 : vector<1x16xi32> to vector<16xi32>
      %swap3A_52 = vector.shape_cast %add3A_46 : vector<16xi32> to vector<1x16xi32>
      tpu.vector_store %arg10[%swap3A_48, %swap3A_49], %swap3A_52 {strides = array<i32>} : memref<5x128xi32, #tpu.memory_space<vmem>>, vector<1x16xi32>,
      %get3A_53 = arith.constant 0 : i32
      %get3A_54 = arith.index_cast %get3A_53 : i32 to index
      %get3A_55 = arith.constant 32 : index
      %get3A_56 = tpu.vector_load %arg9[%get3A_54, %get3A_55] {strides = array<i32>} : memref<5x128xi32, #tpu.memory_space<vmem>>, vector<1x16xi32>,
      %get3A_57 = vector.shape_cast %get3A_56 : vector<1x16xi32> to vector<16xi32>
      %mul3A_58 = arith.constant 257 : i32
      %mul3A_59 = arith.muli %arg0, %mul3A_58 : i32
      %add3A_60 = vector.broadcast %mul3A_59 : i32 to vector<16xi32>
      %add3A_61 = arith.addi %get3A_57, %add3A_60 : vector<16xi32>
      %swap3A_62 = arith.constant 0 : i32
      %swap3A_63 = arith.index_cast %swap3A_62 : i32 to index
      %swap3A_64 = arith.constant 32 : index
      %swap3A_65 = tpu.vector_load %arg10[%swap3A_63, %swap3A_64] {strides = array<i32>} : memref<5x128xi32, #tpu.memory_space<vmem>>, vector<1x16xi32>,
      %swap3A_66 = vector.shape_cast %swap3A_65 : vector<1x16xi32> to vector<16xi32>
      %swap3A_67 = vector.shape_cast %add3A_61 : vector<16xi32> to vector<1x16xi32>
      tpu.vector_store %arg10[%swap3A_63, %swap3A_64], %swap3A_67 {strides = array<i32>} : memref<5x128xi32, #tpu.memory_space<vmem>>, vector<1x16xi32>,
      %get3A_68 = arith.constant 0 : i32
      %get3A_69 = arith.index_cast %get3A_68 : i32 to index
      %get3A_70 = arith.constant 48 : index
      %get3A_71 = tpu.vector_load %arg9[%get3A_69, %get3A_70] {strides = array<i32>} : memref<5x128xi32, #tpu.memory_space<vmem>>, vector<1x16xi32>,
      %get3A_72 = vector.shape_cast %get3A_71 : vector<1x16xi32> to vector<16xi32>
      %mul3A_73 = arith.constant 257 : i32
      %mul3A_74 = arith.muli %arg0, %mul3A_73 : i32
      %add3A_75 = vector.broadcast %mul3A_74 : i32 to vector<16xi32>
      %add3A_76 = arith.addi %get3A_72, %add3A_75 : vector<16xi32>
      %swap3A_77 = arith.constant 0 : i32
      %swap3A_78 = arith.index_cast %swap3A_77 : i32 to index
      %swap3A_79 = arith.constant 48 : index
      %swap3A_80 = tpu.vector_load %arg10[%swap3A_78, %swap3A_79] {strides = array<i32>} : memref<5x128xi32, #tpu.memory_space<vmem>>, vector<1x16xi32>,
      %swap3A_81 = vector.shape_cast %swap3A_80 : vector<1x16xi32> to vector<16xi32>
      %swap3A_82 = vector.shape_cast %add3A_76 : vector<16xi32> to vector<1x16xi32>
      tpu.vector_store %arg10[%swap3A_78, %swap3A_79], %swap3A_82 {strides = array<i32>} : memref<5x128xi32, #tpu.memory_space<vmem>>, vector<1x16xi32>,
      %get3A_83 = arith.constant 0 : i32
      %get3A_84 = arith.index_cast %get3A_83 : i32 to index
      %get3A_85 = arith.constant 64 : index
      %get3A_86 = tpu.vector_load %arg9[%get3A_84, %get3A_85] {strides = array<i32>} : memref<5x128xi32, #tpu.memory_space<vmem>>, vector<1x16xi32>,
      %get3A_87 = vector.shape_cast %get3A_86 : vector<1x16xi32> to vector<16xi32>
      %mul3A_88 = arith.constant 257 : i32
      %mul3A_89 = arith.muli %arg0, %mul3A_88 : i32
      %add3A_90 = vector.broadcast %mul3A_89 : i32 to vector<16xi32>
      %add3A_91 = arith.addi %get3A_87, %add3A_90 : vector<16xi32>
      %swap3A_92 = arith.constant 0 : i32
      %swap3A_93 = arith.index_cast %swap3A_92 : i32 to index
      %swap3A_94 = arith.constant 64 : index
      %swap3A_95 = tpu.vector_load %arg10[%swap3A_93, %swap3A_94] {strides = array<i32>} : memref<5x128xi32, #tpu.memory_space<vmem>>, vector<1x16xi32>,
      %swap3A_96 = vector.shape_cast %swap3A_95 : vector<1x16xi32> to vector<16xi32>
      %swap3A_97 = vector.shape_cast %add3A_91 : vector<16xi32> to vector<1x16xi32>
      tpu.vector_store %arg10[%swap3A_93, %swap3A_94], %swap3A_97 {strides = array<i32>} : memref<5x128xi32, #tpu.memory_space<vmem>>, vector<1x16xi32>,
      %get3A_98 = arith.constant 0 : i32
      %get3A_99 = arith.index_cast %get3A_98 : i32 to index
      %get3A_100 = arith.constant 80 : index
      %get3A_101 = tpu.vector_load %arg9[%get3A_99, %get3A_100] {strides = array<i32>} : memref<5x128xi32, #tpu.memory_space<vmem>>, vector<1x16xi32>,
      %get3A_102 = vector.shape_cast %get3A_101 : vector<1x16xi32> to vector<16xi32>
      %mul3A_103 = arith.constant 257 : i32
      %mul3A_104 = arith.muli %arg0, %mul3A_103 : i32
      %add3A_105 = vector.broadcast %mul3A_104 : i32 to vector<16xi32>
      %add3A_106 = arith.addi %get3A_102, %add3A_105 : vector<16xi32>
      %swap3A_107 = arith.constant 0 : i32
      %swap3A_108 = arith.index_cast %swap3A_107 : i32 to index
      %swap3A_109 = arith.constant 80 : index
      %swap3A_110 = tpu.vector_load %arg10[%swap3A_108, %swap3A_109] {strides = array<i32>} : memref<5x128xi32, #tpu.memory_space<vmem>>, vector<1x16xi32>,
      %swap3A_111 = vector.shape_cast %swap3A_110 : vector<1x16xi32> to vector<16xi32>
      %swap3A_112 = vector.shape_cast %add3A_106 : vector<16xi32> to vector<1x16xi32>
      tpu.vector_store %arg10[%swap3A_108, %swap3A_109], %swap3A_112 {strides = array<i32>} : memref<5x128xi32, #tpu.memory_space<vmem>>, vector<1x16xi32>,
      %get3A_113 = arith.constant 0 : i32
      %get3A_114 = arith.index_cast %get3A_113 : i32 to index
      %get3A_115 = arith.constant 96 : index
      %get3A_116 = tpu.vector_load %arg9[%get3A_114, %get3A_115] {strides = array<i32>} : memref<5x128xi32, #tpu.memory_space<vmem>>, vector<1x16xi32>,
      %get3A_117 = vector.shape_cast %get3A_116 : vector<1x16xi32> to vector<16xi32>
      %mul3A_118 = arith.constant 257 : i32
      %mul3A_119 = arith.muli %arg0, %mul3A_118 : i32
      %add3A_120 = vector.broadcast %mul3A_119 : i32 to vector<16xi32>
      %add3A_121 = arith.addi %get3A_117, %add3A_120 : vector<16xi32>
      %swap3A_122 = arith.constant 0 : i32
      %swap3A_123 = arith.index_cast %swap3A_122 : i32 to index
      %swap3A_124 = arith.constant 96 : index
      %swap3A_125 = tpu.vector_load %arg10[%swap3A_123, %swap3A_124] {strides = array<i32>} : memref<5x128xi32, #tpu.memory_space<vmem>>, vector<1x16xi32>,
      %swap3A_126 = vector.shape_cast %swap3A_125 : vector<1x16xi32> to vector<16xi32>
      %swap3A_127 = vector.shape_cast %add3A_121 : vector<16xi32> to vector<1x16xi32>
      tpu.vector_store %arg10[%swap3A_123, %swap3A_124], %swap3A_127 {strides = array<i32>} : memref<5x128xi32, #tpu.memory_space<vmem>>, vector<1x16xi32>,
      %get3A_128 = arith.constant 0 : i32
      %get3A_129 = arith.index_cast %get3A_128 : i32 to index
      %get3A_130 = arith.constant 112 : index
      %get3A_131 = tpu.vector_load %arg9[%get3A_129, %get3A_130] {strides = array<i32>} : memref<5x128xi32, #tpu.memory_space<vmem>>, vector<1x16xi32>,
      %get3A_132 = vector.shape_cast %get3A_131 : vector<1x16xi32> to vector<16xi32>
      %mul3A_133 = arith.constant 257 : i32
      %mul3A_134 = arith.muli %arg0, %mul3A_133 : i32
      %add3A_135 = vector.broadcast %mul3A_134 : i32 to vector<16xi32>
      %add3A_136 = arith.addi %get3A_132, %add3A_135 : vector<16xi32>
      %swap3A_137 = arith.constant 0 : i32
      %swap3A_138 = arith.index_cast %swap3A_137 : i32 to index
      %swap3A_139 = arith.constant 112 : index
      %swap3A_140 = tpu.vector_load %arg10[%swap3A_138, %swap3A_139] {strides = array<i32>} : memref<5x128xi32, #tpu.memory_space<vmem>>, vector<1x16xi32>,
      %swap3A_141 = vector.shape_cast %swap3A_140 : vector<1x16xi32> to vector<16xi32>
      %swap3A_142 = vector.shape_cast %add3A_136 : vector<16xi32> to vector<1x16xi32>
      tpu.vector_store %arg10[%swap3A_138, %swap3A_139], %swap3A_142 {strides = array<i32>} : memref<5x128xi32, #tpu.memory_space<vmem>>, vector<1x16xi32>,
      %get3A_143 = arith.constant 1 : i32
      %get3A_144 = arith.index_cast %get3A_143 : i32 to index
      %get3A_145 = arith.constant 0 : index
      %get3A_146 = tpu.vector_load %arg9[%get3A_144, %get3A_145] {strides = array<i32>} : memref<5x128xi32, #tpu.memory_space<vmem>>, vector<1x16xi32>,
      %get3A_147 = vector.shape_cast %get3A_146 : vector<1x16xi32> to vector<16xi32>
      %mul3A_148 = arith.constant 257 : i32
      %mul3A_149 = arith.muli %arg0, %mul3A_148 : i32
      %add3A_150 = vector.broadcast %mul3A_149 : i32 to vector<16xi32>
      %add3A_151 = arith.addi %get3A_147, %add3A_150 : vector<16xi32>
      %swap3A_152 = arith.constant 1 : i32
      %swap3A_153 = arith.index_cast %swap3A_152 : i32 to index
      %swap3A_154 = arith.constant 0 : index
      %swap3A_155 = tpu.vector_load %arg10[%swap3A_153, %swap3A_154] {strides = array<i32>} : memref<5x128xi32, #tpu.memory_space<vmem>>, vector<1x16xi32>,
      %swap3A_156 = vector.shape_cast %swap3A_155 : vector<1x16xi32> to vector<16xi32>
      %swap3A_157 = vector.shape_cast %add3A_151 : vector<16xi32> to vector<1x16xi32>
      tpu.vector_store %arg10[%swap3A_153, %swap3A_154], %swap3A_157 {strides = array<i32>} : memref<5x128xi32, #tpu.memory_space<vmem>>, vector<1x16xi32>,
      %get3A_158 = arith.constant 1 : i32
      %get3A_159 = arith.index_cast %get3A_158 : i32 to index
      %get3A_160 = arith.constant 16 : index
      %get3A_161 = tpu.vector_load %arg9[%get3A_159, %get3A_160] {strides = array<i32>} : memref<5x128xi32, #tpu.memory_space<vmem>>, vector<1x16xi32>,
      %get3A_162 = vector.shape_cast %get3A_161 : vector<1x16xi32> to vector<16xi32>
      %mul3A_163 = arith.constant 257 : i32
      %mul3A_164 = arith.muli %arg0, %mul3A_163 : i32
      %add3A_165 = vector.broadcast %mul3A_164 : i32 to vector<16xi32>
      %add3A_166 = arith.addi %get3A_162, %add3A_165 : vector<16xi32>
      %swap3A_167 = arith.constant 1 : i32
      %swap3A_168 = arith.index_cast %swap3A_167 : i32 to index
      %swap3A_169 = arith.constant 16 : index
      %swap3A_170 = tpu.vector_load %arg10[%swap3A_168, %swap3A_169] {strides = array<i32>} : memref<5x128xi32, #tpu.memory_space<vmem>>, vector<1x16xi32>,
      %swap3A_171 = vector.shape_cast %swap3A_170 : vector<1x16xi32> to vector<16xi32>
      %swap3A_172 = vector.shape_cast %add3A_166 : vector<16xi32> to vector<1x16xi32>
      tpu.vector_store %arg10[%swap3A_168, %swap3A_169], %swap3A_172 {strides = array<i32>} : memref<5x128xi32, #tpu.memory_space<vmem>>, vector<1x16xi32>,
      %get3A_173 = arith.constant 1 : i32
      %get3A_174 = arith.index_cast %get3A_173 : i32 to index
      %get3A_175 = arith.constant 32 : index
      %get3A_176 = tpu.vector_load %arg9[%get3A_174, %get3A_175] {strides = array<i32>} : memref<5x128xi32, #tpu.memory_space<vmem>>, vector<1x16xi32>,
      %get3A_177 = vector.shape_cast %get3A_176 : vector<1x16xi32> to vector<16xi32>
      %mul3A_178 = arith.constant 257 : i32
      %mul3A_179 = arith.muli %arg0, %mul3A_178 : i32
      %add3A_180 = vector.broadcast %mul3A_179 : i32 to vector<16xi32>
      %add3A_181 = arith.addi %get3A_177, %add3A_180 : vector<16xi32>
      %swap3A_182 = arith.constant 1 : i32
      %swap3A_183 = arith.index_cast %swap3A_182 : i32 to index
      %swap3A_184 = arith.constant 32 : index
      %swap3A_185 = tpu.vector_load %arg10[%swap3A_183, %swap3A_184] {strides = array<i32>} : memref<5x128xi32, #tpu.memory_space<vmem>>, vector<1x16xi32>,
      %swap3A_186 = vector.shape_cast %swap3A_185 : vector<1x16xi32> to vector<16xi32>
      %swap3A_187 = vector.shape_cast %add3A_181 : vector<16xi32> to vector<1x16xi32>
      tpu.vector_store %arg10[%swap3A_183, %swap3A_184], %swap3A_187 {strides = array<i32>} : memref<5x128xi32, #tpu.memory_space<vmem>>, vector<1x16xi32>,
      %get3A_188 = arith.constant 1 : i32
      %get3A_189 = arith.index_cast %get3A_188 : i32 to index
      %get3A_190 = arith.constant 48 : index
      %get3A_191 = tpu.vector_load %arg9[%get3A_189, %get3A_190] {strides = array<i32>} : memref<5x128xi32, #tpu.memory_space<vmem>>, vector<1x16xi32>,
      %get3A_192 = vector.shape_cast %get3A_191 : vector<1x16xi32> to vector<16xi32>
      %mul3A_193 = arith.constant 257 : i32
      %mul3A_194 = arith.muli %arg0, %mul3A_193 : i32
      %add3A_195 = vector.broadcast %mul3A_194 : i32 to vector<16xi32>
      %add3A_196 = arith.addi %get3A_192, %add3A_195 : vector<16xi32>
      %swap3A_197 = arith.constant 1 : i32
      %swap3A_198 = arith.index_cast %swap3A_197 : i32 to index
      %swap3A_199 = arith.constant 48 : index
      %swap3A_200 = tpu.vector_load %arg10[%swap3A_198, %swap3A_199] {strides = array<i32>} : memref<5x128xi32, #tpu.memory_space<vmem>>, vector<1x16xi32>,
      %swap3A_201 = vector.shape_cast %swap3A_200 : vector<1x16xi32> to vector<16xi32>
      %swap3A_202 = vector.shape_cast %add3A_196 : vector<16xi32> to vector<1x16xi32>
      tpu.vector_store %arg10[%swap3A_198, %swap3A_199], %swap3A_202 {strides = array<i32>} : memref<5x128xi32, #tpu.memory_space<vmem>>, vector<1x16xi32>,
      %get3A_203 = arith.constant 1 : i32
      %get3A_204 = arith.index_cast %get3A_203 : i32 to index
      %get3A_205 = arith.constant 64 : index
      %get3A_206 = tpu.vector_load %arg9[%get3A_204, %get3A_205] {strides = array<i32>} : memref<5x128xi32, #tpu.memory_space<vmem>>, vector<1x16xi32>,
      %get3A_207 = vector.shape_cast %get3A_206 : vector<1x16xi32> to vector<16xi32>
      %mul3A_208 = arith.constant 257 : i32
      %mul3A_209 = arith.muli %arg0, %mul3A_208 : i32
      %add3A_210 = vector.broadcast %mul3A_209 : i32 to vector<16xi32>
      %add3A_211 = arith.addi %get3A_207, %add3A_210 : vector<16xi32>
      %swap3A_212 = arith.constant 1 : i32
      %swap3A_213 = arith.index_cast %swap3A_212 : i32 to index
      %swap3A_214 = arith.constant 64 : index
      %swap3A_215 = tpu.vector_load %arg10[%swap3A_213, %swap3A_214] {strides = array<i32>} : memref<5x128xi32, #tpu.memory_space<vmem>>, vector<1x16xi32>,
      %swap3A_216 = vector.shape_cast %swap3A_215 : vector<1x16xi32> to vector<16xi32>
      %swap3A_217 = vector.shape_cast %add3A_211 : vector<16xi32> to vector<1x16xi32>
      tpu.vector_store %arg10[%swap3A_213, %swap3A_214], %swap3A_217 {strides = array<i32>} : memref<5x128xi32, #tpu.memory_space<vmem>>, vector<1x16xi32>,
      %get3A_218 = arith.constant 1 : i32
      %get3A_219 = arith.index_cast %get3A_218 : i32 to index
      %get3A_220 = arith.constant 80 : index
      %get3A_221 = tpu.vector_load %arg9[%get3A_219, %get3A_220] {strides = array<i32>} : memref<5x128xi32, #tpu.memory_space<vmem>>, vector<1x16xi32>,
      %get3A_222 = vector.shape_cast %get3A_221 : vector<1x16xi32> to vector<16xi32>
      %mul3A_223 = arith.constant 257 : i32
      %mul3A_224 = arith.muli %arg0, %mul3A_223 : i32
      %add3A_225 = vector.broadcast %mul3A_224 : i32 to vector<16xi32>
      %add3A_226 = arith.addi %get3A_222, %add3A_225 : vector<16xi32>
      %swap3A_227 = arith.constant 1 : i32
      %swap3A_228 = arith.index_cast %swap3A_227 : i32 to index
      %swap3A_229 = arith.constant 80 : index
      %swap3A_230 = tpu.vector_load %arg10[%swap3A_228, %swap3A_229] {strides = array<i32>} : memref<5x128xi32, #tpu.memory_space<vmem>>, vector<1x16xi32>,
      %swap3A_231 = vector.shape_cast %swap3A_230 : vector<1x16xi32> to vector<16xi32>
      %swap3A_232 = vector.shape_cast %add3A_226 : vector<16xi32> to vector<1x16xi32>
      tpu.vector_store %arg10[%swap3A_228, %swap3A_229], %swap3A_232 {strides = array<i32>} : memref<5x128xi32, #tpu.memory_space<vmem>>, vector<1x16xi32>,
      %get3A_233 = arith.constant 1 : i32
      %get3A_234 = arith.index_cast %get3A_233 : i32 to index
      %get3A_235 = arith.constant 96 : index
      %get3A_236 = tpu.vector_load %arg9[%get3A_234, %get3A_235] {strides = array<i32>} : memref<5x128xi32, #tpu.memory_space<vmem>>, vector<1x16xi32>,
      %get3A_237 = vector.shape_cast %get3A_236 : vector<1x16xi32> to vector<16xi32>
      %mul3A_238 = arith.constant 257 : i32
      %mul3A_239 = arith.muli %arg0, %mul3A_238 : i32
      %add3A_240 = vector.broadcast %mul3A_239 : i32 to vector<16xi32>
      %add3A_241 = arith.addi %get3A_237, %add3A_240 : vector<16xi32>
      %swap3A_242 = arith.constant 1 : i32
      %swap3A_243 = arith.index_cast %swap3A_242 : i32 to index
      %swap3A_244 = arith.constant 96 : index
      %swap3A_245 = tpu.vector_load %arg10[%swap3A_243, %swap3A_244] {strides = array<i32>} : memref<5x128xi32, #tpu.memory_space<vmem>>, vector<1x16xi32>,
      %swap3A_246 = vector.shape_cast %swap3A_245 : vector<1x16xi32> to vector<16xi32>
      %swap3A_247 = vector.shape_cast %add3A_241 : vector<16xi32> to vector<1x16xi32>
      tpu.vector_store %arg10[%swap3A_243, %swap3A_244], %swap3A_247 {strides = array<i32>} : memref<5x128xi32, #tpu.memory_space<vmem>>, vector<1x16xi32>,
      %get3A_248 = arith.constant 1 : i32
      %get3A_249 = arith.index_cast %get3A_248 : i32 to index
      %get3A_250 = arith.constant 112 : index
      %get3A_251 = tpu.vector_load %arg9[%get3A_249, %get3A_250] {strides = array<i32>} : memref<5x128xi32, #tpu.memory_space<vmem>>, vector<1x16xi32>,
      %get3A_252 = vector.shape_cast %get3A_251 : vector<1x16xi32> to vector<16xi32>
      %mul3A_253 = arith.constant 257 : i32
      %mul3A_254 = arith.muli %arg0, %mul3A_253 : i32
      %add3A_255 = vector.broadcast %mul3A_254 : i32 to vector<16xi32>
      %add3A_256 = arith.addi %get3A_252, %add3A_255 : vector<16xi32>
      %swap3A_257 = arith.constant 1 : i32
      %swap3A_258 = arith.index_cast %swap3A_257 : i32 to index
      %swap3A_259 = arith.constant 112 : index
      %swap3A_260 = tpu.vector_load %arg10[%swap3A_258, %swap3A_259] {strides = array<i32>} : memref<5x128xi32, #tpu.memory_space<vmem>>, vector<1x16xi32>,
      %swap3A_261 = vector.shape_cast %swap3A_260 : vector<1x16xi32> to vector<16xi32>
      %swap3A_262 = vector.shape_cast %add3A_256 : vector<16xi32> to vector<1x16xi32>
      tpu.vector_store %arg10[%swap3A_258, %swap3A_259], %swap3A_262 {strides = array<i32>} : memref<5x128xi32, #tpu.memory_space<vmem>>, vector<1x16xi32>,
      %get3A_263 = arith.constant 2 : i32
      %get3A_264 = arith.index_cast %get3A_263 : i32 to index
      %get3A_265 = arith.constant 0 : index
      %get3A_266 = tpu.vector_load %arg9[%get3A_264, %get3A_265] {strides = array<i32>} : memref<5x128xi32, #tpu.memory_space<vmem>>, vector<1x16xi32>,
      %get3A_267 = vector.shape_cast %get3A_266 : vector<1x16xi32> to vector<16xi32>
      %mul3A_268 = arith.constant 257 : i32
      %mul3A_269 = arith.muli %arg0, %mul3A_268 : i32
      %add3A_270 = vector.broadcast %mul3A_269 : i32 to vector<16xi32>
      %add3A_271 = arith.addi %get3A_267, %add3A_270 : vector<16xi32>
      %swap3A_272 = arith.constant 2 : i32
      %swap3A_273 = arith.index_cast %swap3A_272 : i32 to index
      %swap3A_274 = arith.constant 0 : index
      %swap3A_275 = tpu.vector_load %arg10[%swap3A_273, %swap3A_274] {strides = array<i32>} : memref<5x128xi32, #tpu.memory_space<vmem>>, vector<1x16xi32>,
      %swap3A_276 = vector.shape_cast %swap3A_275 : vector<1x16xi32> to vector<16xi32>
      %swap3A_277 = vector.shape_cast %add3A_271 : vector<16xi32> to vector<1x16xi32>
      tpu.vector_store %arg10[%swap3A_273, %swap3A_274], %swap3A_277 {strides = array<i32>} : memref<5x128xi32, #tpu.memory_space<vmem>>, vector<1x16xi32>,
      %get3A_278 = arith.constant 2 : i32
      %get3A_279 = arith.index_cast %get3A_278 : i32 to index
      %get3A_280 = arith.constant 16 : index
      %get3A_281 = tpu.vector_load %arg9[%get3A_279, %get3A_280] {strides = array<i32>} : memref<5x128xi32, #tpu.memory_space<vmem>>, vector<1x16xi32>,
      %get3A_282 = vector.shape_cast %get3A_281 : vector<1x16xi32> to vector<16xi32>
      %mul3A_283 = arith.constant 257 : i32
      %mul3A_284 = arith.muli %arg0, %mul3A_283 : i32
      %add3A_285 = vector.broadcast %mul3A_284 : i32 to vector<16xi32>
      %add3A_286 = arith.addi %get3A_282, %add3A_285 : vector<16xi32>
      %swap3A_287 = arith.constant 2 : i32
      %swap3A_288 = arith.index_cast %swap3A_287 : i32 to index
      %swap3A_289 = arith.constant 16 : index
      %swap3A_290 = tpu.vector_load %arg10[%swap3A_288, %swap3A_289] {strides = array<i32>} : memref<5x128xi32, #tpu.memory_space<vmem>>, vector<1x16xi32>,
      %swap3A_291 = vector.shape_cast %swap3A_290 : vector<1x16xi32> to vector<16xi32>
      %swap3A_292 = vector.shape_cast %add3A_286 : vector<16xi32> to vector<1x16xi32>
      tpu.vector_store %arg10[%swap3A_288, %swap3A_289], %swap3A_292 {strides = array<i32>} : memref<5x128xi32, #tpu.memory_space<vmem>>, vector<1x16xi32>,
      %get3A_293 = arith.constant 2 : i32
      %get3A_294 = arith.index_cast %get3A_293 : i32 to index
      %get3A_295 = arith.constant 32 : index
      %get3A_296 = tpu.vector_load %arg9[%get3A_294, %get3A_295] {strides = array<i32>} : memref<5x128xi32, #tpu.memory_space<vmem>>, vector<1x16xi32>,
      %get3A_297 = vector.shape_cast %get3A_296 : vector<1x16xi32> to vector<16xi32>
      %mul3A_298 = arith.constant 257 : i32
      %mul3A_299 = arith.muli %arg0, %mul3A_298 : i32
      %add3A_300 = vector.broadcast %mul3A_299 : i32 to vector<16xi32>
      %add3A_301 = arith.addi %get3A_297, %add3A_300 : vector<16xi32>
      %swap3A_302 = arith.constant 2 : i32
      %swap3A_303 = arith.index_cast %swap3A_302 : i32 to index
      %swap3A_304 = arith.constant 32 : index
      %swap3A_305 = tpu.vector_load %arg10[%swap3A_303, %swap3A_304] {strides = array<i32>} : memref<5x128xi32, #tpu.memory_space<vmem>>, vector<1x16xi32>,
      %swap3A_306 = vector.shape_cast %swap3A_305 : vector<1x16xi32> to vector<16xi32>
      %swap3A_307 = vector.shape_cast %add3A_301 : vector<16xi32> to vector<1x16xi32>
      tpu.vector_store %arg10[%swap3A_303, %swap3A_304], %swap3A_307 {strides = array<i32>} : memref<5x128xi32, #tpu.memory_space<vmem>>, vector<1x16xi32>,
      %get3A_308 = arith.constant 2 : i32
      %get3A_309 = arith.index_cast %get3A_308 : i32 to index
      %get3A_310 = arith.constant 48 : index
      %get3A_311 = tpu.vector_load %arg9[%get3A_309, %get3A_310] {strides = array<i32>} : memref<5x128xi32, #tpu.memory_space<vmem>>, vector<1x16xi32>,
      %get3A_312 = vector.shape_cast %get3A_311 : vector<1x16xi32> to vector<16xi32>
      %mul3A_313 = arith.constant 257 : i32
      %mul3A_314 = arith.muli %arg0, %mul3A_313 : i32
      %add3A_315 = vector.broadcast %mul3A_314 : i32 to vector<16xi32>
      %add3A_316 = arith.addi %get3A_312, %add3A_315 : vector<16xi32>
      %swap3A_317 = arith.constant 2 : i32
      %swap3A_318 = arith.index_cast %swap3A_317 : i32 to index
      %swap3A_319 = arith.constant 48 : index
      %swap3A_320 = tpu.vector_load %arg10[%swap3A_318, %swap3A_319] {strides = array<i32>} : memref<5x128xi32, #tpu.memory_space<vmem>>, vector<1x16xi32>,
      %swap3A_321 = vector.shape_cast %swap3A_320 : vector<1x16xi32> to vector<16xi32>
      %swap3A_322 = vector.shape_cast %add3A_316 : vector<16xi32> to vector<1x16xi32>
      tpu.vector_store %arg10[%swap3A_318, %swap3A_319], %swap3A_322 {strides = array<i32>} : memref<5x128xi32, #tpu.memory_space<vmem>>, vector<1x16xi32>,
      %get3A_323 = arith.constant 2 : i32
      %get3A_324 = arith.index_cast %get3A_323 : i32 to index
      %get3A_325 = arith.constant 64 : index
      %get3A_326 = tpu.vector_load %arg9[%get3A_324, %get3A_325] {strides = array<i32>} : memref<5x128xi32, #tpu.memory_space<vmem>>, vector<1x16xi32>,
      %get3A_327 = vector.shape_cast %get3A_326 : vector<1x16xi32> to vector<16xi32>
      %mul3A_328 = arith.constant 257 : i32
      %mul3A_329 = arith.muli %arg0, %mul3A_328 : i32
      %add3A_330 = vector.broadcast %mul3A_329 : i32 to vector<16xi32>
      %add3A_331 = arith.addi %get3A_327, %add3A_330 : vector<16xi32>
      %swap3A_332 = arith.constant 2 : i32
      %swap3A_333 = arith.index_cast %swap3A_332 : i32 to index
      %swap3A_334 = arith.constant 64 : index
      %swap3A_335 = tpu.vector_load %arg10[%swap3A_333, %swap3A_334] {strides = array<i32>} : memref<5x128xi32, #tpu.memory_space<vmem>>, vector<1x16xi32>,
      %swap3A_336 = vector.shape_cast %swap3A_335 : vector<1x16xi32> to vector<16xi32>
      %swap3A_337 = vector.shape_cast %add3A_331 : vector<16xi32> to vector<1x16xi32>
      tpu.vector_store %arg10[%swap3A_333, %swap3A_334], %swap3A_337 {strides = array<i32>} : memref<5x128xi32, #tpu.memory_space<vmem>>, vector<1x16xi32>,
      %get3A_338 = arith.constant 2 : i32
      %get3A_339 = arith.index_cast %get3A_338 : i32 to index
      %get3A_340 = arith.constant 80 : index
      %get3A_341 = tpu.vector_load %arg9[%get3A_339, %get3A_340] {strides = array<i32>} : memref<5x128xi32, #tpu.memory_space<vmem>>, vector<1x16xi32>,
      %get3A_342 = vector.shape_cast %get3A_341 : vector<1x16xi32> to vector<16xi32>
      %mul3A_343 = arith.constant 257 : i32
      %mul3A_344 = arith.muli %arg0, %mul3A_343 : i32
      %add3A_345 = vector.broadcast %mul3A_344 : i32 to vector<16xi32>
      %add3A_346 = arith.addi %get3A_342, %add3A_345 : vector<16xi32>
      %swap3A_347 = arith.constant 2 : i32
      %swap3A_348 = arith.index_cast %swap3A_347 : i32 to index
      %swap3A_349 = arith.constant 80 : index
      %swap3A_350 = tpu.vector_load %arg10[%swap3A_348, %swap3A_349] {strides = array<i32>} : memref<5x128xi32, #tpu.memory_space<vmem>>, vector<1x16xi32>,
      %swap3A_351 = vector.shape_cast %swap3A_350 : vector<1x16xi32> to vector<16xi32>
      %swap3A_352 = vector.shape_cast %add3A_346 : vector<16xi32> to vector<1x16xi32>
      tpu.vector_store %arg10[%swap3A_348, %swap3A_349], %swap3A_352 {strides = array<i32>} : memref<5x128xi32, #tpu.memory_space<vmem>>, vector<1x16xi32>,
      %get3A_353 = arith.constant 2 : i32
      %get3A_354 = arith.index_cast %get3A_353 : i32 to index
      %get3A_355 = arith.constant 96 : index
      %get3A_356 = tpu.vector_load %arg9[%get3A_354, %get3A_355] {strides = array<i32>} : memref<5x128xi32, #tpu.memory_space<vmem>>, vector<1x16xi32>,
      %get3A_357 = vector.shape_cast %get3A_356 : vector<1x16xi32> to vector<16xi32>
      %mul3A_358 = arith.constant 257 : i32
      %mul3A_359 = arith.muli %arg0, %mul3A_358 : i32
      %add3A_360 = vector.broadcast %mul3A_359 : i32 to vector<16xi32>
      %add3A_361 = arith.addi %get3A_357, %add3A_360 : vector<16xi32>
      %swap3A_362 = arith.constant 2 : i32
      %swap3A_363 = arith.index_cast %swap3A_362 : i32 to index
      %swap3A_364 = arith.constant 96 : index
      %swap3A_365 = tpu.vector_load %arg10[%swap3A_363, %swap3A_364] {strides = array<i32>} : memref<5x128xi32, #tpu.memory_space<vmem>>, vector<1x16xi32>,
      %swap3A_366 = vector.shape_cast %swap3A_365 : vector<1x16xi32> to vector<16xi32>
      %swap3A_367 = vector.shape_cast %add3A_361 : vector<16xi32> to vector<1x16xi32>
      tpu.vector_store %arg10[%swap3A_363, %swap3A_364], %swap3A_367 {strides = array<i32>} : memref<5x128xi32, #tpu.memory_space<vmem>>, vector<1x16xi32>,
      %get3A_368 = arith.constant 2 : i32
      %get3A_369 = arith.index_cast %get3A_368 : i32 to index
      %get3A_370 = arith.constant 112 : index
      %get3A_371 = tpu.vector_load %arg9[%get3A_369, %get3A_370] {strides = array<i32>} : memref<5x128xi32, #tpu.memory_space<vmem>>, vector<1x16xi32>,
      %get3A_372 = vector.shape_cast %get3A_371 : vector<1x16xi32> to vector<16xi32>
      %mul3A_373 = arith.constant 257 : i32
      %mul3A_374 = arith.muli %arg0, %mul3A_373 : i32
      %add3A_375 = vector.broadcast %mul3A_374 : i32 to vector<16xi32>
      %add3A_376 = arith.addi %get3A_372, %add3A_375 : vector<16xi32>
      %swap3A_377 = arith.constant 2 : i32
      %swap3A_378 = arith.index_cast %swap3A_377 : i32 to index
      %swap3A_379 = arith.constant 112 : index
      %swap3A_380 = tpu.vector_load %arg10[%swap3A_378, %swap3A_379] {strides = array<i32>} : memref<5x128xi32, #tpu.memory_space<vmem>>, vector<1x16xi32>,
      %swap3A_381 = vector.shape_cast %swap3A_380 : vector<1x16xi32> to vector<16xi32>
      %swap3A_382 = vector.shape_cast %add3A_376 : vector<16xi32> to vector<1x16xi32>
      tpu.vector_store %arg10[%swap3A_378, %swap3A_379], %swap3A_382 {strides = array<i32>} : memref<5x128xi32, #tpu.memory_space<vmem>>, vector<1x16xi32>,
      %get3A_383 = arith.constant 3 : i32
      %get3A_384 = arith.index_cast %get3A_383 : i32 to index
      %get3A_385 = arith.constant 0 : index
      %get3A_386 = tpu.vector_load %arg9[%get3A_384, %get3A_385] {strides = array<i32>} : memref<5x128xi32, #tpu.memory_space<vmem>>, vector<1x16xi32>,
      %get3A_387 = vector.shape_cast %get3A_386 : vector<1x16xi32> to vector<16xi32>
      %mul3A_388 = arith.constant 257 : i32
      %mul3A_389 = arith.muli %arg0, %mul3A_388 : i32
      %add3A_390 = vector.broadcast %mul3A_389 : i32 to vector<16xi32>
      %add3A_391 = arith.addi %get3A_387, %add3A_390 : vector<16xi32>
      %swap3A_392 = arith.constant 3 : i32
      %swap3A_393 = arith.index_cast %swap3A_392 : i32 to index
      %swap3A_394 = arith.constant 0 : index
      %swap3A_395 = tpu.vector_load %arg10[%swap3A_393, %swap3A_394] {strides = array<i32>} : memref<5x128xi32, #tpu.memory_space<vmem>>, vector<1x16xi32>,
      %swap3A_396 = vector.shape_cast %swap3A_395 : vector<1x16xi32> to vector<16xi32>
      %swap3A_397 = vector.shape_cast %add3A_391 : vector<16xi32> to vector<1x16xi32>
      tpu.vector_store %arg10[%swap3A_393, %swap3A_394], %swap3A_397 {strides = array<i32>} : memref<5x128xi32, #tpu.memory_space<vmem>>, vector<1x16xi32>,
      %get3A_398 = arith.constant 3 : i32
      %get3A_399 = arith.index_cast %get3A_398 : i32 to index
      %get3A_400 = arith.constant 16 : index
      %get3A_401 = tpu.vector_load %arg9[%get3A_399, %get3A_400] {strides = array<i32>} : memref<5x128xi32, #tpu.memory_space<vmem>>, vector<1x16xi32>,
      %get3A_402 = vector.shape_cast %get3A_401 : vector<1x16xi32> to vector<16xi32>
      %mul3A_403 = arith.constant 257 : i32
      %mul3A_404 = arith.muli %arg0, %mul3A_403 : i32
      %add3A_405 = vector.broadcast %mul3A_404 : i32 to vector<16xi32>
      %add3A_406 = arith.addi %get3A_402, %add3A_405 : vector<16xi32>
      %swap3A_407 = arith.constant 3 : i32
      %swap3A_408 = arith.index_cast %swap3A_407 : i32 to index
      %swap3A_409 = arith.constant 16 : index
      %swap3A_410 = tpu.vector_load %arg10[%swap3A_408, %swap3A_409] {strides = array<i32>} : memref<5x128xi32, #tpu.memory_space<vmem>>, vector<1x16xi32>,
      %swap3A_411 = vector.shape_cast %swap3A_410 : vector<1x16xi32> to vector<16xi32>
      %swap3A_412 = vector.shape_cast %add3A_406 : vector<16xi32> to vector<1x16xi32>
      tpu.vector_store %arg10[%swap3A_408, %swap3A_409], %swap3A_412 {strides = array<i32>} : memref<5x128xi32, #tpu.memory_space<vmem>>, vector<1x16xi32>,
      %get3A_413 = arith.constant 3 : i32
      %get3A_414 = arith.index_cast %get3A_413 : i32 to index
      %get3A_415 = arith.constant 32 : index
      %get3A_416 = tpu.vector_load %arg9[%get3A_414, %get3A_415] {strides = array<i32>} : memref<5x128xi32, #tpu.memory_space<vmem>>, vector<1x16xi32>,
      %get3A_417 = vector.shape_cast %get3A_416 : vector<1x16xi32> to vector<16xi32>
      %mul3A_418 = arith.constant 257 : i32
      %mul3A_419 = arith.muli %arg0, %mul3A_418 : i32
      %add3A_420 = vector.broadcast %mul3A_419 : i32 to vector<16xi32>
      %add3A_421 = arith.addi %get3A_417, %add3A_420 : vector<16xi32>
      %swap3A_422 = arith.constant 3 : i32
      %swap3A_423 = arith.index_cast %swap3A_422 : i32 to index
      %swap3A_424 = arith.constant 32 : index
      %swap3A_425 = tpu.vector_load %arg10[%swap3A_423, %swap3A_424] {strides = array<i32>} : memref<5x128xi32, #tpu.memory_space<vmem>>, vector<1x16xi32>,
      %swap3A_426 = vector.shape_cast %swap3A_425 : vector<1x16xi32> to vector<16xi32>
      %swap3A_427 = vector.shape_cast %add3A_421 : vector<16xi32> to vector<1x16xi32>
      tpu.vector_store %arg10[%swap3A_423, %swap3A_424], %swap3A_427 {strides = array<i32>} : memref<5x128xi32, #tpu.memory_space<vmem>>, vector<1x16xi32>,
      %get3A_428 = arith.constant 3 : i32
      %get3A_429 = arith.index_cast %get3A_428 : i32 to index
      %get3A_430 = arith.constant 48 : index
      %get3A_431 = tpu.vector_load %arg9[%get3A_429, %get3A_430] {strides = array<i32>} : memref<5x128xi32, #tpu.memory_space<vmem>>, vector<1x16xi32>,
      %get3A_432 = vector.shape_cast %get3A_431 : vector<1x16xi32> to vector<16xi32>
      %mul3A_433 = arith.constant 257 : i32
      %mul3A_434 = arith.muli %arg0, %mul3A_433 : i32
      %add3A_435 = vector.broadcast %mul3A_434 : i32 to vector<16xi32>
      %add3A_436 = arith.addi %get3A_432, %add3A_435 : vector<16xi32>
      %swap3A_437 = arith.constant 3 : i32
      %swap3A_438 = arith.index_cast %swap3A_437 : i32 to index
      %swap3A_439 = arith.constant 48 : index
      %swap3A_440 = tpu.vector_load %arg10[%swap3A_438, %swap3A_439] {strides = array<i32>} : memref<5x128xi32, #tpu.memory_space<vmem>>, vector<1x16xi32>,
      %swap3A_441 = vector.shape_cast %swap3A_440 : vector<1x16xi32> to vector<16xi32>
      %swap3A_442 = vector.shape_cast %add3A_436 : vector<16xi32> to vector<1x16xi32>
      tpu.vector_store %arg10[%swap3A_438, %swap3A_439], %swap3A_442 {strides = array<i32>} : memref<5x128xi32, #tpu.memory_space<vmem>>, vector<1x16xi32>,
      %get3A_443 = arith.constant 3 : i32
      %get3A_444 = arith.index_cast %get3A_443 : i32 to index
      %get3A_445 = arith.constant 64 : index
      %get3A_446 = tpu.vector_load %arg9[%get3A_444, %get3A_445] {strides = array<i32>} : memref<5x128xi32, #tpu.memory_space<vmem>>, vector<1x16xi32>,
      %get3A_447 = vector.shape_cast %get3A_446 : vector<1x16xi32> to vector<16xi32>
      %mul3A_448 = arith.constant 257 : i32
      %mul3A_449 = arith.muli %arg0, %mul3A_448 : i32
      %add3A_450 = vector.broadcast %mul3A_449 : i32 to vector<16xi32>
      %add3A_451 = arith.addi %get3A_447, %add3A_450 : vector<16xi32>
      %swap3A_452 = arith.constant 3 : i32
      %swap3A_453 = arith.index_cast %swap3A_452 : i32 to index
      %swap3A_454 = arith.constant 64 : index
      %swap3A_455 = tpu.vector_load %arg10[%swap3A_453, %swap3A_454] {strides = array<i32>} : memref<5x128xi32, #tpu.memory_space<vmem>>, vector<1x16xi32>,
      %swap3A_456 = vector.shape_cast %swap3A_455 : vector<1x16xi32> to vector<16xi32>
      %swap3A_457 = vector.shape_cast %add3A_451 : vector<16xi32> to vector<1x16xi32>
      tpu.vector_store %arg10[%swap3A_453, %swap3A_454], %swap3A_457 {strides = array<i32>} : memref<5x128xi32, #tpu.memory_space<vmem>>, vector<1x16xi32>,
      %get3A_458 = arith.constant 3 : i32
      %get3A_459 = arith.index_cast %get3A_458 : i32 to index
      %get3A_460 = arith.constant 80 : index
      %get3A_461 = tpu.vector_load %arg9[%get3A_459, %get3A_460] {strides = array<i32>} : memref<5x128xi32, #tpu.memory_space<vmem>>, vector<1x16xi32>,
      %get3A_462 = vector.shape_cast %get3A_461 : vector<1x16xi32> to vector<16xi32>
      %mul3A_463 = arith.constant 257 : i32
      %mul3A_464 = arith.muli %arg0, %mul3A_463 : i32
      %add3A_465 = vector.broadcast %mul3A_464 : i32 to vector<16xi32>
      %add3A_466 = arith.addi %get3A_462, %add3A_465 : vector<16xi32>
      %swap3A_467 = arith.constant 3 : i32
      %swap3A_468 = arith.index_cast %swap3A_467 : i32 to index
      %swap3A_469 = arith.constant 80 : index
      %swap3A_470 = tpu.vector_load %arg10[%swap3A_468, %swap3A_469] {strides = array<i32>} : memref<5x128xi32, #tpu.memory_space<vmem>>, vector<1x16xi32>,
      %swap3A_471 = vector.shape_cast %swap3A_470 : vector<1x16xi32> to vector<16xi32>
      %swap3A_472 = vector.shape_cast %add3A_466 : vector<16xi32> to vector<1x16xi32>
      tpu.vector_store %arg10[%swap3A_468, %swap3A_469], %swap3A_472 {strides = array<i32>} : memref<5x128xi32, #tpu.memory_space<vmem>>, vector<1x16xi32>,
      %get3A_473 = arith.constant 3 : i32
      %get3A_474 = arith.index_cast %get3A_473 : i32 to index
      %get3A_475 = arith.constant 96 : index
      %get3A_476 = tpu.vector_load %arg9[%get3A_474, %get3A_475] {strides = array<i32>} : memref<5x128xi32, #tpu.memory_space<vmem>>, vector<1x16xi32>,
      %get3A_477 = vector.shape_cast %get3A_476 : vector<1x16xi32> to vector<16xi32>
      %mul3A_478 = arith.constant 257 : i32
      %mul3A_479 = arith.muli %arg0, %mul3A_478 : i32
      %add3A_480 = vector.broadcast %mul3A_479 : i32 to vector<16xi32>
      %add3A_481 = arith.addi %get3A_477, %add3A_480 : vector<16xi32>
      %swap3A_482 = arith.constant 3 : i32
      %swap3A_483 = arith.index_cast %swap3A_482 : i32 to index
      %swap3A_484 = arith.constant 96 : index
      %swap3A_485 = tpu.vector_load %arg10[%swap3A_483, %swap3A_484] {strides = array<i32>} : memref<5x128xi32, #tpu.memory_space<vmem>>, vector<1x16xi32>,
      %swap3A_486 = vector.shape_cast %swap3A_485 : vector<1x16xi32> to vector<16xi32>
      %swap3A_487 = vector.shape_cast %add3A_481 : vector<16xi32> to vector<1x16xi32>
      tpu.vector_store %arg10[%swap3A_483, %swap3A_484], %swap3A_487 {strides = array<i32>} : memref<5x128xi32, #tpu.memory_space<vmem>>, vector<1x16xi32>,
      %get3A_488 = arith.constant 3 : i32
      %get3A_489 = arith.index_cast %get3A_488 : i32 to index
      %get3A_490 = arith.constant 112 : index
      %get3A_491 = tpu.vector_load %arg9[%get3A_489, %get3A_490] {strides = array<i32>} : memref<5x128xi32, #tpu.memory_space<vmem>>, vector<1x16xi32>,
      %get3A_492 = vector.shape_cast %get3A_491 : vector<1x16xi32> to vector<16xi32>
      %mul3A_493 = arith.constant 257 : i32
      %mul3A_494 = arith.muli %arg0, %mul3A_493 : i32
      %add3A_495 = vector.broadcast %mul3A_494 : i32 to vector<16xi32>
      %add3A_496 = arith.addi %get3A_492, %add3A_495 : vector<16xi32>
      %swap3A_497 = arith.constant 3 : i32
      %swap3A_498 = arith.index_cast %swap3A_497 : i32 to index
      %swap3A_499 = arith.constant 112 : index
      %swap3A_500 = tpu.vector_load %arg10[%swap3A_498, %swap3A_499] {strides = array<i32>} : memref<5x128xi32, #tpu.memory_space<vmem>>, vector<1x16xi32>,
      %swap3A_501 = vector.shape_cast %swap3A_500 : vector<1x16xi32> to vector<16xi32>
      %swap3A_502 = vector.shape_cast %add3A_496 : vector<16xi32> to vector<1x16xi32>
      tpu.vector_store %arg10[%swap3A_498, %swap3A_499], %swap3A_502 {strides = array<i32>} : memref<5x128xi32, #tpu.memory_space<vmem>>, vector<1x16xi32>,
      %get3A_503 = arith.constant 4 : i32
      %get3A_504 = arith.index_cast %get3A_503 : i32 to index
      %get3A_505 = arith.constant 0 : index
      %get3A_506 = tpu.vector_load %arg9[%get3A_504, %get3A_505] {strides = array<i32>} : memref<5x128xi32, #tpu.memory_space<vmem>>, vector<1x16xi32>,
      %get3A_507 = vector.shape_cast %get3A_506 : vector<1x16xi32> to vector<16xi32>
      %mul3A_508 = arith.constant 257 : i32
      %mul3A_509 = arith.muli %arg0, %mul3A_508 : i32
      %add3A_510 = vector.broadcast %mul3A_509 : i32 to vector<16xi32>
      %add3A_511 = arith.addi %get3A_507, %add3A_510 : vector<16xi32>
      %swap3A_512 = arith.constant 4 : i32
      %swap3A_513 = arith.index_cast %swap3A_512 : i32 to index
      %swap3A_514 = arith.constant 0 : index
      %swap3A_515 = tpu.vector_load %arg10[%swap3A_513, %swap3A_514] {strides = array<i32>} : memref<5x128xi32, #tpu.memory_space<vmem>>, vector<1x16xi32>,
      %swap3A_516 = vector.shape_cast %swap3A_515 : vector<1x16xi32> to vector<16xi32>
      %swap3A_517 = vector.shape_cast %add3A_511 : vector<16xi32> to vector<1x16xi32>
      tpu.vector_store %arg10[%swap3A_513, %swap3A_514], %swap3A_517 {strides = array<i32>} : memref<5x128xi32, #tpu.memory_space<vmem>>, vector<1x16xi32>,
      %get3A_518 = arith.constant 4 : i32
      %get3A_519 = arith.index_cast %get3A_518 : i32 to index
      %get3A_520 = arith.constant 16 : index
      %get3A_521 = tpu.vector_load %arg9[%get3A_519, %get3A_520] {strides = array<i32>} : memref<5x128xi32, #tpu.memory_space<vmem>>, vector<1x16xi32>,
      %get3A_522 = vector.shape_cast %get3A_521 : vector<1x16xi32> to vector<16xi32>
      %mul3A_523 = arith.constant 257 : i32
      %mul3A_524 = arith.muli %arg0, %mul3A_523 : i32
      %add3A_525 = vector.broadcast %mul3A_524 : i32 to vector<16xi32>
      %add3A_526 = arith.addi %get3A_522, %add3A_525 : vector<16xi32>
      %swap3A_527 = arith.constant 4 : i32
      %swap3A_528 = arith.index_cast %swap3A_527 : i32 to index
      %swap3A_529 = arith.constant 16 : index
      %swap3A_530 = tpu.vector_load %arg10[%swap3A_528, %swap3A_529] {strides = array<i32>} : memref<5x128xi32, #tpu.memory_space<vmem>>, vector<1x16xi32>,
      %swap3A_531 = vector.shape_cast %swap3A_530 : vector<1x16xi32> to vector<16xi32>
      %swap3A_532 = vector.shape_cast %add3A_526 : vector<16xi32> to vector<1x16xi32>
      tpu.vector_store %arg10[%swap3A_528, %swap3A_529], %swap3A_532 {strides = array<i32>} : memref<5x128xi32, #tpu.memory_space<vmem>>, vector<1x16xi32>,
      %get3A_533 = arith.constant 4 : i32
      %get3A_534 = arith.index_cast %get3A_533 : i32 to index
      %get3A_535 = arith.constant 32 : index
      %get3A_536 = tpu.vector_load %arg9[%get3A_534, %get3A_535] {strides = array<i32>} : memref<5x128xi32, #tpu.memory_space<vmem>>, vector<1x16xi32>,
      %get3A_537 = vector.shape_cast %get3A_536 : vector<1x16xi32> to vector<16xi32>
      %mul3A_538 = arith.constant 257 : i32
      %mul3A_539 = arith.muli %arg0, %mul3A_538 : i32
      %add3A_540 = vector.broadcast %mul3A_539 : i32 to vector<16xi32>
      %add3A_541 = arith.addi %get3A_537, %add3A_540 : vector<16xi32>
      %swap3A_542 = arith.constant 4 : i32
      %swap3A_543 = arith.index_cast %swap3A_542 : i32 to index
      %swap3A_544 = arith.constant 32 : index
      %swap3A_545 = tpu.vector_load %arg10[%swap3A_543, %swap3A_544] {strides = array<i32>} : memref<5x128xi32, #tpu.memory_space<vmem>>, vector<1x16xi32>,
      %swap3A_546 = vector.shape_cast %swap3A_545 : vector<1x16xi32> to vector<16xi32>
      %swap3A_547 = vector.shape_cast %add3A_541 : vector<16xi32> to vector<1x16xi32>
      tpu.vector_store %arg10[%swap3A_543, %swap3A_544], %swap3A_547 {strides = array<i32>} : memref<5x128xi32, #tpu.memory_space<vmem>>, vector<1x16xi32>,
      %get3A_548 = arith.constant 4 : i32
      %get3A_549 = arith.index_cast %get3A_548 : i32 to index
      %get3A_550 = arith.constant 48 : index
      %get3A_551 = tpu.vector_load %arg9[%get3A_549, %get3A_550] {strides = array<i32>} : memref<5x128xi32, #tpu.memory_space<vmem>>, vector<1x16xi32>,
      %get3A_552 = vector.shape_cast %get3A_551 : vector<1x16xi32> to vector<16xi32>
      %mul3A_553 = arith.constant 257 : i32
      %mul3A_554 = arith.muli %arg0, %mul3A_553 : i32
      %add3A_555 = vector.broadcast %mul3A_554 : i32 to vector<16xi32>
      %add3A_556 = arith.addi %get3A_552, %add3A_555 : vector<16xi32>
      %swap3A_557 = arith.constant 4 : i32
      %swap3A_558 = arith.index_cast %swap3A_557 : i32 to index
      %swap3A_559 = arith.constant 48 : index
      %swap3A_560 = tpu.vector_load %arg10[%swap3A_558, %swap3A_559] {strides = array<i32>} : memref<5x128xi32, #tpu.memory_space<vmem>>, vector<1x16xi32>,
      %swap3A_561 = vector.shape_cast %swap3A_560 : vector<1x16xi32> to vector<16xi32>
      %swap3A_562 = vector.shape_cast %add3A_556 : vector<16xi32> to vector<1x16xi32>
      tpu.vector_store %arg10[%swap3A_558, %swap3A_559], %swap3A_562 {strides = array<i32>} : memref<5x128xi32, #tpu.memory_space<vmem>>, vector<1x16xi32>,
      %get3A_563 = arith.constant 4 : i32
      %get3A_564 = arith.index_cast %get3A_563 : i32 to index
      %get3A_565 = arith.constant 64 : index
      %get3A_566 = tpu.vector_load %arg9[%get3A_564, %get3A_565] {strides = array<i32>} : memref<5x128xi32, #tpu.memory_space<vmem>>, vector<1x16xi32>,
      %get3A_567 = vector.shape_cast %get3A_566 : vector<1x16xi32> to vector<16xi32>
      %mul3A_568 = arith.constant 257 : i32
      %mul3A_569 = arith.muli %arg0, %mul3A_568 : i32
      %add3A_570 = vector.broadcast %mul3A_569 : i32 to vector<16xi32>
      %add3A_571 = arith.addi %get3A_567, %add3A_570 : vector<16xi32>
      %swap3A_572 = arith.constant 4 : i32
      %swap3A_573 = arith.index_cast %swap3A_572 : i32 to index
      %swap3A_574 = arith.constant 64 : index
      %swap3A_575 = tpu.vector_load %arg10[%swap3A_573, %swap3A_574] {strides = array<i32>} : memref<5x128xi32, #tpu.memory_space<vmem>>, vector<1x16xi32>,
      %swap3A_576 = vector.shape_cast %swap3A_575 : vector<1x16xi32> to vector<16xi32>
      %swap3A_577 = vector.shape_cast %add3A_571 : vector<16xi32> to vector<1x16xi32>
      tpu.vector_store %arg10[%swap3A_573, %swap3A_574], %swap3A_577 {strides = array<i32>} : memref<5x128xi32, #tpu.memory_space<vmem>>, vector<1x16xi32>,
      %get3A_578 = arith.constant 4 : i32
      %get3A_579 = arith.index_cast %get3A_578 : i32 to index
      %get3A_580 = arith.constant 80 : index
      %get3A_581 = tpu.vector_load %arg9[%get3A_579, %get3A_580] {strides = array<i32>} : memref<5x128xi32, #tpu.memory_space<vmem>>, vector<1x16xi32>,
      %get3A_582 = vector.shape_cast %get3A_581 : vector<1x16xi32> to vector<16xi32>
      %mul3A_583 = arith.constant 257 : i32
      %mul3A_584 = arith.muli %arg0, %mul3A_583 : i32
      %add3A_585 = vector.broadcast %mul3A_584 : i32 to vector<16xi32>
      %add3A_586 = arith.addi %get3A_582, %add3A_585 : vector<16xi32>
      %swap3A_587 = arith.constant 4 : i32
      %swap3A_588 = arith.index_cast %swap3A_587 : i32 to index
      %swap3A_589 = arith.constant 80 : index
      %swap3A_590 = tpu.vector_load %arg10[%swap3A_588, %swap3A_589] {strides = array<i32>} : memref<5x128xi32, #tpu.memory_space<vmem>>, vector<1x16xi32>,
      %swap3A_591 = vector.shape_cast %swap3A_590 : vector<1x16xi32> to vector<16xi32>
      %swap3A_592 = vector.shape_cast %add3A_586 : vector<16xi32> to vector<1x16xi32>
      tpu.vector_store %arg10[%swap3A_588, %swap3A_589], %swap3A_592 {strides = array<i32>} : memref<5x128xi32, #tpu.memory_space<vmem>>, vector<1x16xi32>,
      %get3A_593 = arith.constant 4 : i32
      %get3A_594 = arith.index_cast %get3A_593 : i32 to index
      %get3A_595 = arith.constant 96 : index
      %get3A_596 = tpu.vector_load %arg9[%get3A_594, %get3A_595] {strides = array<i32>} : memref<5x128xi32, #tpu.memory_space<vmem>>, vector<1x16xi32>,
      %get3A_597 = vector.shape_cast %get3A_596 : vector<1x16xi32> to vector<16xi32>
      %mul3A_598 = arith.constant 257 : i32
      %mul3A_599 = arith.muli %arg0, %mul3A_598 : i32
      %add3A_600 = vector.broadcast %mul3A_599 : i32 to vector<16xi32>
      %add3A_601 = arith.addi %get3A_597, %add3A_600 : vector<16xi32>
      %swap3A_602 = arith.constant 4 : i32
      %swap3A_603 = arith.index_cast %swap3A_602 : i32 to index
      %swap3A_604 = arith.constant 96 : index
      %swap3A_605 = tpu.vector_load %arg10[%swap3A_603, %swap3A_604] {strides = array<i32>} : memref<5x128xi32, #tpu.memory_space<vmem>>, vector<1x16xi32>,
      %swap3A_606 = vector.shape_cast %swap3A_605 : vector<1x16xi32> to vector<16xi32>
      %swap3A_607 = vector.shape_cast %add3A_601 : vector<16xi32> to vector<1x16xi32>
      tpu.vector_store %arg10[%swap3A_603, %swap3A_604], %swap3A_607 {strides = array<i32>} : memref<5x128xi32, #tpu.memory_space<vmem>>, vector<1x16xi32>,
      %get3A_608 = arith.constant 4 : i32
      %get3A_609 = arith.index_cast %get3A_608 : i32 to index
      %get3A_610 = arith.constant 112 : index
      %get3A_611 = tpu.vector_load %arg9[%get3A_609, %get3A_610] {strides = array<i32>} : memref<5x128xi32, #tpu.memory_space<vmem>>, vector<1x16xi32>,
      %get3A_612 = vector.shape_cast %get3A_611 : vector<1x16xi32> to vector<16xi32>
      %mul3A_613 = arith.constant 257 : i32
      %mul3A_614 = arith.muli %arg0, %mul3A_613 : i32
      %add3A_615 = vector.broadcast %mul3A_614 : i32 to vector<16xi32>
      %add3A_616 = arith.addi %get3A_612, %add3A_615 : vector<16xi32>
      %swap3A_617 = arith.constant 4 : i32
      %swap3A_618 = arith.index_cast %swap3A_617 : i32 to index
      %swap3A_619 = arith.constant 112 : index
      %swap3A_620 = tpu.vector_load %arg10[%swap3A_618, %swap3A_619] {strides = array<i32>} : memref<5x128xi32, #tpu.memory_space<vmem>>, vector<1x16xi32>,
      %swap3A_621 = vector.shape_cast %swap3A_620 : vector<1x16xi32> to vector<16xi32>
      %swap3A_622 = vector.shape_cast %add3A_616 : vector<16xi32> to vector<1x16xi32>
      tpu.vector_store %arg10[%swap3A_618, %swap3A_619], %swap3A_622 {strides = array<i32>} : memref<5x128xi32, #tpu.memory_space<vmem>>, vector<1x16xi32>,
      %dma_start3A = arith.constant 0 : i32
      %dma_start3A_623 = arith.constant 0 : i32
      %dma_start3A_624 = arith.constant 0 : i32
      %dma_start3A_625 = arith.constant 0 : i32
      %dma_start3A_626 = tpu.memref_slice %arg11[%dma_start3A_623, %dma_start3A_624, %dma_start3A_625] : memref<5x128x32xf32, #tpu.memory_space<vmem>> -> memref<1x128x32xf32, #tpu.memory_space<vmem>>
      %dma_start3A_627 = tpu.memref_squeeze %dma_start3A_626 : memref<1x128x32xf32, #tpu.memory_space<vmem>> -> memref<128x32xf32, #tpu.memory_space<vmem>>
      %dma_start3A_628 = arith.constant 0 : i32
      %dma_start3A_629 = tpu.memref_slice %arg10[%dma_start3A, %dma_start3A_628] : memref<5x128xi32, #tpu.memory_space<vmem>> -> memref<1x128xi32, #tpu.memory_space<vmem>>
      %dma_start3A_630 = tpu.memref_squeeze %dma_start3A_629 : memref<1x128xi32, #tpu.memory_space<vmem>> -> memref<128xi32, #tpu.memory_space<vmem>>
      %dma_start3A_631 = arith.constant 0 : i32
      %dma_start3A_632 = arith.constant 0 : i32
      %dma_start3A_633 = tpu.memref_slice %arg3[%dma_start3A_631, %dma_start3A_632] : memref<514x32xf32, #tpu.memory_space<hbm>> -> memref<514x32xf32, #tpu.memory_space<hbm>>
      tpu.enqueue_indirect_dma source(%dma_start3A_633 : memref<514x32xf32, #tpu.memory_space<hbm>>) target(%dma_start3A_627 : memref<128x32xf32, #tpu.memory_space<vmem>>) offsets(%dma_start3A_630 : memref<128xi32, #tpu.memory_space<vmem>>) semaphore(%arg15 : memref<!tpu.dma_semaphore, #tpu.memory_space<semaphore_mem>>)
      %dma_start3A_634 = arith.constant 1 : i32
      %dma_start3A_635 = arith.constant 1 : i32
      %dma_start3A_636 = arith.constant 0 : i32
      %dma_start3A_637 = arith.constant 0 : i32
      %dma_start3A_638 = tpu.memref_slice %arg11[%dma_start3A_635, %dma_start3A_636, %dma_start3A_637] : memref<5x128x32xf32, #tpu.memory_space<vmem>> -> memref<1x128x32xf32, #tpu.memory_space<vmem>>
      %dma_start3A_639 = tpu.memref_squeeze %dma_start3A_638 : memref<1x128x32xf32, #tpu.memory_space<vmem>> -> memref<128x32xf32, #tpu.memory_space<vmem>>
      %dma_start3A_640 = arith.constant 0 : i32
      %dma_start3A_641 = tpu.memref_slice %arg10[%dma_start3A_634, %dma_start3A_640] : memref<5x128xi32, #tpu.memory_space<vmem>> -> memref<1x128xi32, #tpu.memory_space<vmem>>
      %dma_start3A_642 = tpu.memref_squeeze %dma_start3A_641 : memref<1x128xi32, #tpu.memory_space<vmem>> -> memref<128xi32, #tpu.memory_space<vmem>>
      %dma_start3A_643 = arith.constant 0 : i32
      %dma_start3A_644 = arith.constant 0 : i32
      %dma_start3A_645 = tpu.memref_slice %arg3[%dma_start3A_643, %dma_start3A_644] : memref<514x32xf32, #tpu.memory_space<hbm>> -> memref<514x32xf32, #tpu.memory_space<hbm>>
      tpu.enqueue_indirect_dma source(%dma_start3A_645 : memref<514x32xf32, #tpu.memory_space<hbm>>) target(%dma_start3A_639 : memref<128x32xf32, #tpu.memory_space<vmem>>) offsets(%dma_start3A_642 : memref<128xi32, #tpu.memory_space<vmem>>) semaphore(%arg15 : memref<!tpu.dma_semaphore, #tpu.memory_space<semaphore_mem>>)
      %dma_start3A_646 = arith.constant 2 : i32
      %dma_start3A_647 = arith.constant 2 : i32
      %dma_start3A_648 = arith.constant 0 : i32
      %dma_start3A_649 = arith.constant 0 : i32
      %dma_start3A_650 = tpu.memref_slice %arg11[%dma_start3A_647, %dma_start3A_648, %dma_start3A_649] : memref<5x128x32xf32, #tpu.memory_space<vmem>> -> memref<1x128x32xf32, #tpu.memory_space<vmem>>
      %dma_start3A_651 = tpu.memref_squeeze %dma_start3A_650 : memref<1x128x32xf32, #tpu.memory_space<vmem>> -> memref<128x32xf32, #tpu.memory_space<vmem>>
      %dma_start3A_652 = arith.constant 0 : i32
      %dma_start3A_653 = tpu.memref_slice %arg10[%dma_start3A_646, %dma_start3A_652] : memref<5x128xi32, #tpu.memory_space<vmem>> -> memref<1x128xi32, #tpu.memory_space<vmem>>
      %dma_start3A_654 = tpu.memref_squeeze %dma_start3A_653 : memref<1x128xi32, #tpu.memory_space<vmem>> -> memref<128xi32, #tpu.memory_space<vmem>>
      %dma_start3A_655 = arith.constant 0 : i32
      %dma_start3A_656 = arith.constant 0 : i32
      %dma_start3A_657 = tpu.memref_slice %arg3[%dma_start3A_655, %dma_start3A_656] : memref<514x32xf32, #tpu.memory_space<hbm>> -> memref<514x32xf32, #tpu.memory_space<hbm>>
      tpu.enqueue_indirect_dma source(%dma_start3A_657 : memref<514x32xf32, #tpu.memory_space<hbm>>) target(%dma_start3A_651 : memref<128x32xf32, #tpu.memory_space<vmem>>) offsets(%dma_start3A_654 : memref<128xi32, #tpu.memory_space<vmem>>) semaphore(%arg15 : memref<!tpu.dma_semaphore, #tpu.memory_space<semaphore_mem>>)
      %dma_start3A_658 = arith.constant 3 : i32
      %dma_start3A_659 = arith.constant 3 : i32
      %dma_start3A_660 = arith.constant 0 : i32
      %dma_start3A_661 = arith.constant 0 : i32
      %dma_start3A_662 = tpu.memref_slice %arg11[%dma_start3A_659, %dma_start3A_660, %dma_start3A_661] : memref<5x128x32xf32, #tpu.memory_space<vmem>> -> memref<1x128x32xf32, #tpu.memory_space<vmem>>
      %dma_start3A_663 = tpu.memref_squeeze %dma_start3A_662 : memref<1x128x32xf32, #tpu.memory_space<vmem>> -> memref<128x32xf32, #tpu.memory_space<vmem>>
      %dma_start3A_664 = arith.constant 0 : i32
      %dma_start3A_665 = tpu.memref_slice %arg10[%dma_start3A_658, %dma_start3A_664] : memref<5x128xi32, #tpu.memory_space<vmem>> -> memref<1x128xi32, #tpu.memory_space<vmem>>
      %dma_start3A_666 = tpu.memref_squeeze %dma_start3A_665 : memref<1x128xi32, #tpu.memory_space<vmem>> -> memref<128xi32, #tpu.memory_space<vmem>>
      %dma_start3A_667 = arith.constant 0 : i32
      %dma_start3A_668 = arith.constant 0 : i32
      %dma_start3A_669 = tpu.memref_slice %arg3[%dma_start3A_667, %dma_start3A_668] : memref<514x32xf32, #tpu.memory_space<hbm>> -> memref<514x32xf32, #tpu.memory_space<hbm>>
      tpu.enqueue_indirect_dma source(%dma_start3A_669 : memref<514x32xf32, #tpu.memory_space<hbm>>) target(%dma_start3A_663 : memref<128x32xf32, #tpu.memory_space<vmem>>) offsets(%dma_start3A_666 : memref<128xi32, #tpu.memory_space<vmem>>) semaphore(%arg15 : memref<!tpu.dma_semaphore, #tpu.memory_space<semaphore_mem>>)
      %dma_start3A_670 = arith.constant 4 : i32
      %dma_start3A_671 = arith.constant 4 : i32
      %dma_start3A_672 = arith.constant 0 : i32
      %dma_start3A_673 = arith.constant 0 : i32
      %dma_start3A_674 = tpu.memref_slice %arg11[%dma_start3A_671, %dma_start3A_672, %dma_start3A_673] : memref<5x128x32xf32, #tpu.memory_space<vmem>> -> memref<1x128x32xf32, #tpu.memory_space<vmem>>
      %dma_start3A_675 = tpu.memref_squeeze %dma_start3A_674 : memref<1x128x32xf32, #tpu.memory_space<vmem>> -> memref<128x32xf32, #tpu.memory_space<vmem>>
      %dma_start3A_676 = arith.constant 0 : i32
      %dma_start3A_677 = tpu.memref_slice %arg10[%dma_start3A_670, %dma_start3A_676] : memref<5x128xi32, #tpu.memory_space<vmem>> -> memref<1x128xi32, #tpu.memory_space<vmem>>
      %dma_start3A_678 = tpu.memref_squeeze %dma_start3A_677 : memref<1x128xi32, #tpu.memory_space<vmem>> -> memref<128xi32, #tpu.memory_space<vmem>>
      %dma_start3A_679 = arith.constant 0 : i32
      %dma_start3A_680 = arith.constant 0 : i32
      %dma_start3A_681 = tpu.memref_slice %arg3[%dma_start3A_679, %dma_start3A_680] : memref<514x32xf32, #tpu.memory_space<hbm>> -> memref<514x32xf32, #tpu.memory_space<hbm>>
      tpu.enqueue_indirect_dma source(%dma_start3A_681 : memref<514x32xf32, #tpu.memory_space<hbm>>) target(%dma_start3A_675 : memref<128x32xf32, #tpu.memory_space<vmem>>) offsets(%dma_start3A_678 : memref<128xi32, #tpu.memory_space<vmem>>) semaphore(%arg15 : memref<!tpu.dma_semaphore, #tpu.memory_space<semaphore_mem>>)
      %dma_wait3A = arith.constant 0 : i32
      %dma_wait3A_682 = arith.constant 0 : i32
      %dma_wait3A_683 = arith.constant 0 : i32
      %dma_wait3A_684 = arith.constant 0 : i32
      %dma_wait3A_685 = tpu.memref_slice %arg11[%dma_wait3A_682, %dma_wait3A_683, %dma_wait3A_684] : memref<5x128x32xf32, #tpu.memory_space<vmem>> -> memref<1x128x32xf32, #tpu.memory_space<vmem>>
      %dma_wait3A_686 = tpu.memref_squeeze %dma_wait3A_685 : memref<1x128x32xf32, #tpu.memory_space<vmem>> -> memref<128x32xf32, #tpu.memory_space<vmem>>
      %dma_wait3A_687 = arith.constant 0 : i32
      %dma_wait3A_688 = tpu.memref_slice %arg10[%dma_wait3A, %dma_wait3A_687] : memref<5x128xi32, #tpu.memory_space<vmem>> -> memref<1x128xi32, #tpu.memory_space<vmem>>
      %dma_wait3A_689 = tpu.memref_squeeze %dma_wait3A_688 : memref<1x128xi32, #tpu.memory_space<vmem>> -> memref<128xi32, #tpu.memory_space<vmem>>
      %dma_wait3A_690 = arith.constant 0 : i32
      %dma_wait3A_691 = arith.constant 0 : i32
      %dma_wait3A_692 = tpu.memref_slice %arg3[%dma_wait3A_690, %dma_wait3A_691] : memref<514x32xf32, #tpu.memory_space<hbm>> -> memref<514x32xf32, #tpu.memory_space<hbm>>
      tpu.wait_indirect_dma semaphore(%arg15 : memref<!tpu.dma_semaphore, #tpu.memory_space<semaphore_mem>>) src(%dma_wait3A_692 : memref<514x32xf32, #tpu.memory_space<hbm>>) dst(%dma_wait3A_686 : memref<128x32xf32, #tpu.memory_space<vmem>>)
      %dma_wait3A_693 = arith.constant 1 : i32
      %dma_wait3A_694 = arith.constant 1 : i32
      %dma_wait3A_695 = arith.constant 0 : i32
      %dma_wait3A_696 = arith.constant 0 : i32
      %dma_wait3A_697 = tpu.memref_slice %arg11[%dma_wait3A_694, %dma_wait3A_695, %dma_wait3A_696] : memref<5x128x32xf32, #tpu.memory_space<vmem>> -> memref<1x128x32xf32, #tpu.memory_space<vmem>>
      %dma_wait3A_698 = tpu.memref_squeeze %dma_wait3A_697 : memref<1x128x32xf32, #tpu.memory_space<vmem>> -> memref<128x32xf32, #tpu.memory_space<vmem>>
      %dma_wait3A_699 = arith.constant 0 : i32
      %dma_wait3A_700 = tpu.memref_slice %arg10[%dma_wait3A_693, %dma_wait3A_699] : memref<5x128xi32, #tpu.memory_space<vmem>> -> memref<1x128xi32, #tpu.memory_space<vmem>>
      %dma_wait3A_701 = tpu.memref_squeeze %dma_wait3A_700 : memref<1x128xi32, #tpu.memory_space<vmem>> -> memref<128xi32, #tpu.memory_space<vmem>>
      %dma_wait3A_702 = arith.constant 0 : i32
      %dma_wait3A_703 = arith.constant 0 : i32
      %dma_wait3A_704 = tpu.memref_slice %arg3[%dma_wait3A_702, %dma_wait3A_703] : memref<514x32xf32, #tpu.memory_space<hbm>> -> memref<514x32xf32, #tpu.memory_space<hbm>>
      tpu.wait_indirect_dma semaphore(%arg15 : memref<!tpu.dma_semaphore, #tpu.memory_space<semaphore_mem>>) src(%dma_wait3A_704 : memref<514x32xf32, #tpu.memory_space<hbm>>) dst(%dma_wait3A_698 : memref<128x32xf32, #tpu.memory_space<vmem>>)
      %dma_wait3A_705 = arith.constant 2 : i32
      %dma_wait3A_706 = arith.constant 2 : i32
      %dma_wait3A_707 = arith.constant 0 : i32
      %dma_wait3A_708 = arith.constant 0 : i32
      %dma_wait3A_709 = tpu.memref_slice %arg11[%dma_wait3A_706, %dma_wait3A_707, %dma_wait3A_708] : memref<5x128x32xf32, #tpu.memory_space<vmem>> -> memref<1x128x32xf32, #tpu.memory_space<vmem>>
      %dma_wait3A_710 = tpu.memref_squeeze %dma_wait3A_709 : memref<1x128x32xf32, #tpu.memory_space<vmem>> -> memref<128x32xf32, #tpu.memory_space<vmem>>
      %dma_wait3A_711 = arith.constant 0 : i32
      %dma_wait3A_712 = tpu.memref_slice %arg10[%dma_wait3A_705, %dma_wait3A_711] : memref<5x128xi32, #tpu.memory_space<vmem>> -> memref<1x128xi32, #tpu.memory_space<vmem>>
      %dma_wait3A_713 = tpu.memref_squeeze %dma_wait3A_712 : memref<1x128xi32, #tpu.memory_space<vmem>> -> memref<128xi32, #tpu.memory_space<vmem>>
      %dma_wait3A_714 = arith.constant 0 : i32
      %dma_wait3A_715 = arith.constant 0 : i32
      %dma_wait3A_716 = tpu.memref_slice %arg3[%dma_wait3A_714, %dma_wait3A_715] : memref<514x32xf32, #tpu.memory_space<hbm>> -> memref<514x32xf32, #tpu.memory_space<hbm>>
      tpu.wait_indirect_dma semaphore(%arg15 : memref<!tpu.dma_semaphore, #tpu.memory_space<semaphore_mem>>) src(%dma_wait3A_716 : memref<514x32xf32, #tpu.memory_space<hbm>>) dst(%dma_wait3A_710 : memref<128x32xf32, #tpu.memory_space<vmem>>)
      %dma_wait3A_717 = arith.constant 3 : i32
      %dma_wait3A_718 = arith.constant 3 : i32
      %dma_wait3A_719 = arith.constant 0 : i32
      %dma_wait3A_720 = arith.constant 0 : i32
      %dma_wait3A_721 = tpu.memref_slice %arg11[%dma_wait3A_718, %dma_wait3A_719, %dma_wait3A_720] : memref<5x128x32xf32, #tpu.memory_space<vmem>> -> memref<1x128x32xf32, #tpu.memory_space<vmem>>
      %dma_wait3A_722 = tpu.memref_squeeze %dma_wait3A_721 : memref<1x128x32xf32, #tpu.memory_space<vmem>> -> memref<128x32xf32, #tpu.memory_space<vmem>>
      %dma_wait3A_723 = arith.constant 0 : i32
      %dma_wait3A_724 = tpu.memref_slice %arg10[%dma_wait3A_717, %dma_wait3A_723] : memref<5x128xi32, #tpu.memory_space<vmem>> -> memref<1x128xi32, #tpu.memory_space<vmem>>
      %dma_wait3A_725 = tpu.memref_squeeze %dma_wait3A_724 : memref<1x128xi32, #tpu.memory_space<vmem>> -> memref<128xi32, #tpu.memory_space<vmem>>
      %dma_wait3A_726 = arith.constant 0 : i32
      %dma_wait3A_727 = arith.constant 0 : i32
      %dma_wait3A_728 = tpu.memref_slice %arg3[%dma_wait3A_726, %dma_wait3A_727] : memref<514x32xf32, #tpu.memory_space<hbm>> -> memref<514x32xf32, #tpu.memory_space<hbm>>
      tpu.wait_indirect_dma semaphore(%arg15 : memref<!tpu.dma_semaphore, #tpu.memory_space<semaphore_mem>>) src(%dma_wait3A_728 : memref<514x32xf32, #tpu.memory_space<hbm>>) dst(%dma_wait3A_722 : memref<128x32xf32, #tpu.memory_space<vmem>>)
      %dma_wait3A_729 = arith.constant 4 : i32
      %dma_wait3A_730 = arith.constant 4 : i32
      %dma_wait3A_731 = arith.constant 0 : i32
      %dma_wait3A_732 = arith.constant 0 : i32
      %dma_wait3A_733 = tpu.memref_slice %arg11[%dma_wait3A_730, %dma_wait3A_731, %dma_wait3A_732] : memref<5x128x32xf32, #tpu.memory_space<vmem>> -> memref<1x128x32xf32, #tpu.memory_space<vmem>>
      %dma_wait3A_734 = tpu.memref_squeeze %dma_wait3A_733 : memref<1x128x32xf32, #tpu.memory_space<vmem>> -> memref<128x32xf32, #tpu.memory_space<vmem>>
      %dma_wait3A_735 = arith.constant 0 : i32
      %dma_wait3A_736 = tpu.memref_slice %arg10[%dma_wait3A_729, %dma_wait3A_735] : memref<5x128xi32, #tpu.memory_space<vmem>> -> memref<1x128xi32, #tpu.memory_space<vmem>>
      %dma_wait3A_737 = tpu.memref_squeeze %dma_wait3A_736 : memref<1x128xi32, #tpu.memory_space<vmem>> -> memref<128xi32, #tpu.memory_space<vmem>>
      %dma_wait3A_738 = arith.constant 0 : i32
      %dma_wait3A_739 = arith.constant 0 : i32
      %dma_wait3A_740 = tpu.memref_slice %arg3[%dma_wait3A_738, %dma_wait3A_739] : memref<514x32xf32, #tpu.memory_space<hbm>> -> memref<514x32xf32, #tpu.memory_space<hbm>>
      tpu.wait_indirect_dma semaphore(%arg15 : memref<!tpu.dma_semaphore, #tpu.memory_space<semaphore_mem>>) src(%dma_wait3A_740 : memref<514x32xf32, #tpu.memory_space<hbm>>) dst(%dma_wait3A_734 : memref<128x32xf32, #tpu.memory_space<vmem>>)
      %mul3A_741 = arith.constant 3200 : i32
      %mul3A_742 = arith.muli %arg1, %mul3A_741 : i32
      %mul3A_743 = arith.constant 5 : i32
      %mul3A_744 = arith.muli %scan3A_19, %mul3A_743 : i32
      %add3A_745 = arith.constant 0 : i32
      %add3A_746 = arith.addi %mul3A_744, %add3A_745 : i32
      %mul3A_747 = arith.constant 128 : i32
      %mul3A_748 = arith.muli %add3A_746, %mul3A_747 : i32
      %add3A_749 = arith.addi %mul3A_742, %mul3A_748 : i32
      %dma_start3A_750 = arith.constant 0 : i32
      %dma_start3A_751 = arith.constant 0 : i32
      %dma_start3A_752 = arith.constant 0 : i32
      %dma_start3A_753 = tpu.memref_slice %arg11[%dma_start3A_750, %dma_start3A_751, %dma_start3A_752] : memref<5x128x32xf32, #tpu.memory_space<vmem>> -> memref<1x128x32xf32, #tpu.memory_space<vmem>>
      %dma_start3A_754 = tpu.memref_squeeze %dma_start3A_753 : memref<1x128x32xf32, #tpu.memory_space<vmem>> -> memref<128x32xf32, #tpu.memory_space<vmem>>
      %dma_start3A_755 = arith.constant 0 : i32
      %dma_start3A_756 = tpu.memref_slice %arg7[%arg0, %add3A_749, %dma_start3A_755] : memref<2x51200x32xf32, #tpu.memory_space<hbm>> -> memref<1x128x32xf32, #tpu.memory_space<hbm>>
      %dma_start3A_757 = tpu.memref_squeeze %dma_start3A_756 : memref<1x128x32xf32, #tpu.memory_space<hbm>> -> memref<128x32xf32, #tpu.memory_space<hbm>>
      %dma_start3A_758 = arith.constant 0 : i32
      %dma_start3A_759 = tpu.memref_slice %arg7[%arg0, %add3A_749, %dma_start3A_758] : memref<2x51200x32xf32, #tpu.memory_space<hbm>> -> memref<1x128x32xf32, #tpu.memory_space<hbm>>
      %dma_start3A_760 = tpu.memref_squeeze %dma_start3A_759 : memref<1x128x32xf32, #tpu.memory_space<hbm>> -> memref<128x32xf32, #tpu.memory_space<hbm>>
      %dma_start3A_761 = arith.constant 0 : i32
      %dma_start3A_762 = arith.constant 0 : i32
      %dma_start3A_763 = tpu.memref_slice %arg11[%dma_start3A_750, %dma_start3A_761, %dma_start3A_762] : memref<5x128x32xf32, #tpu.memory_space<vmem>> -> memref<1x128x32xf32, #tpu.memory_space<vmem>>
      %dma_start3A_764 = tpu.memref_squeeze %dma_start3A_763 : memref<1x128x32xf32, #tpu.memory_space<vmem>> -> memref<128x32xf32, #tpu.memory_space<vmem>>
      tpu.enqueue_dma source(%dma_start3A_764 : memref<128x32xf32, #tpu.memory_space<vmem>>) target(%dma_start3A_760 : memref<128x32xf32, #tpu.memory_space<hbm>>) target_semaphore(%arg17 : memref<!tpu.dma_semaphore, #tpu.memory_space<semaphore_mem>>)
      %mul3A_765 = arith.constant 3200 : i32
      %mul3A_766 = arith.muli %arg1, %mul3A_765 : i32
      %mul3A_767 = arith.constant 5 : i32
      %mul3A_768 = arith.muli %scan3A_19, %mul3A_767 : i32
      %add3A_769 = arith.constant 1 : i32
      %add3A_770 = arith.addi %mul3A_768, %add3A_769 : i32
      %mul3A_771 = arith.constant 128 : i32
      %mul3A_772 = arith.muli %add3A_770, %mul3A_771 : i32
      %add3A_773 = arith.addi %mul3A_766, %mul3A_772 : i32
      %dma_start3A_774 = arith.constant 1 : i32
      %dma_start3A_775 = arith.constant 0 : i32
      %dma_start3A_776 = arith.constant 0 : i32
      %dma_start3A_777 = tpu.memref_slice %arg11[%dma_start3A_774, %dma_start3A_775, %dma_start3A_776] : memref<5x128x32xf32, #tpu.memory_space<vmem>> -> memref<1x128x32xf32, #tpu.memory_space<vmem>>
      %dma_start3A_778 = tpu.memref_squeeze %dma_start3A_777 : memref<1x128x32xf32, #tpu.memory_space<vmem>> -> memref<128x32xf32, #tpu.memory_space<vmem>>
      %dma_start3A_779 = arith.constant 0 : i32
      %dma_start3A_780 = tpu.memref_slice %arg7[%arg0, %add3A_773, %dma_start3A_779] : memref<2x51200x32xf32, #tpu.memory_space<hbm>> -> memref<1x128x32xf32, #tpu.memory_space<hbm>>
      %dma_start3A_781 = tpu.memref_squeeze %dma_start3A_780 : memref<1x128x32xf32, #tpu.memory_space<hbm>> -> memref<128x32xf32, #tpu.memory_space<hbm>>
      %dma_start3A_782 = arith.constant 0 : i32
      %dma_start3A_783 = tpu.memref_slice %arg7[%arg0, %add3A_773, %dma_start3A_782] : memref<2x51200x32xf32, #tpu.memory_space<hbm>> -> memref<1x128x32xf32, #tpu.memory_space<hbm>>
      %dma_start3A_784 = tpu.memref_squeeze %dma_start3A_783 : memref<1x128x32xf32, #tpu.memory_space<hbm>> -> memref<128x32xf32, #tpu.memory_space<hbm>>
      %dma_start3A_785 = arith.constant 0 : i32
      %dma_start3A_786 = arith.constant 0 : i32
      %dma_start3A_787 = tpu.memref_slice %arg11[%dma_start3A_774, %dma_start3A_785, %dma_start3A_786] : memref<5x128x32xf32, #tpu.memory_space<vmem>> -> memref<1x128x32xf32, #tpu.memory_space<vmem>>
      %dma_start3A_788 = tpu.memref_squeeze %dma_start3A_787 : memref<1x128x32xf32, #tpu.memory_space<vmem>> -> memref<128x32xf32, #tpu.memory_space<vmem>>
      tpu.enqueue_dma source(%dma_start3A_788 : memref<128x32xf32, #tpu.memory_space<vmem>>) target(%dma_start3A_784 : memref<128x32xf32, #tpu.memory_space<hbm>>) target_semaphore(%arg17 : memref<!tpu.dma_semaphore, #tpu.memory_space<semaphore_mem>>)
      %mul3A_789 = arith.constant 3200 : i32
      %mul3A_790 = arith.muli %arg1, %mul3A_789 : i32
      %mul3A_791 = arith.constant 5 : i32
      %mul3A_792 = arith.muli %scan3A_19, %mul3A_791 : i32
      %add3A_793 = arith.constant 2 : i32
      %add3A_794 = arith.addi %mul3A_792, %add3A_793 : i32
      %mul3A_795 = arith.constant 128 : i32
      %mul3A_796 = arith.muli %add3A_794, %mul3A_795 : i32
      %add3A_797 = arith.addi %mul3A_790, %mul3A_796 : i32
      %dma_start3A_798 = arith.constant 2 : i32
      %dma_start3A_799 = arith.constant 0 : i32
      %dma_start3A_800 = arith.constant 0 : i32
      %dma_start3A_801 = tpu.memref_slice %arg11[%dma_start3A_798, %dma_start3A_799, %dma_start3A_800] : memref<5x128x32xf32, #tpu.memory_space<vmem>> -> memref<1x128x32xf32, #tpu.memory_space<vmem>>
      %dma_start3A_802 = tpu.memref_squeeze %dma_start3A_801 : memref<1x128x32xf32, #tpu.memory_space<vmem>> -> memref<128x32xf32, #tpu.memory_space<vmem>>
      %dma_start3A_803 = arith.constant 0 : i32
      %dma_start3A_804 = tpu.memref_slice %arg7[%arg0, %add3A_797, %dma_start3A_803] : memref<2x51200x32xf32, #tpu.memory_space<hbm>> -> memref<1x128x32xf32, #tpu.memory_space<hbm>>
      %dma_start3A_805 = tpu.memref_squeeze %dma_start3A_804 : memref<1x128x32xf32, #tpu.memory_space<hbm>> -> memref<128x32xf32, #tpu.memory_space<hbm>>
      %dma_start3A_806 = arith.constant 0 : i32
      %dma_start3A_807 = tpu.memref_slice %arg7[%arg0, %add3A_797, %dma_start3A_806] : memref<2x51200x32xf32, #tpu.memory_space<hbm>> -> memref<1x128x32xf32, #tpu.memory_space<hbm>>
      %dma_start3A_808 = tpu.memref_squeeze %dma_start3A_807 : memref<1x128x32xf32, #tpu.memory_space<hbm>> -> memref<128x32xf32, #tpu.memory_space<hbm>>
      %dma_start3A_809 = arith.constant 0 : i32
      %dma_start3A_810 = arith.constant 0 : i32
      %dma_start3A_811 = tpu.memref_slice %arg11[%dma_start3A_798, %dma_start3A_809, %dma_start3A_810] : memref<5x128x32xf32, #tpu.memory_space<vmem>> -> memref<1x128x32xf32, #tpu.memory_space<vmem>>
      %dma_start3A_812 = tpu.memref_squeeze %dma_start3A_811 : memref<1x128x32xf32, #tpu.memory_space<vmem>> -> memref<128x32xf32, #tpu.memory_space<vmem>>
      tpu.enqueue_dma source(%dma_start3A_812 : memref<128x32xf32, #tpu.memory_space<vmem>>) target(%dma_start3A_808 : memref<128x32xf32, #tpu.memory_space<hbm>>) target_semaphore(%arg17 : memref<!tpu.dma_semaphore, #tpu.memory_space<semaphore_mem>>)
      %mul3A_813 = arith.constant 3200 : i32
      %mul3A_814 = arith.muli %arg1, %mul3A_813 : i32
      %mul3A_815 = arith.constant 5 : i32
      %mul3A_816 = arith.muli %scan3A_19, %mul3A_815 : i32
      %add3A_817 = arith.constant 3 : i32
      %add3A_818 = arith.addi %mul3A_816, %add3A_817 : i32
      %mul3A_819 = arith.constant 128 : i32
      %mul3A_820 = arith.muli %add3A_818, %mul3A_819 : i32
      %add3A_821 = arith.addi %mul3A_814, %mul3A_820 : i32
      %dma_start3A_822 = arith.constant 3 : i32
      %dma_start3A_823 = arith.constant 0 : i32
      %dma_start3A_824 = arith.constant 0 : i32
      %dma_start3A_825 = tpu.memref_slice %arg11[%dma_start3A_822, %dma_start3A_823, %dma_start3A_824] : memref<5x128x32xf32, #tpu.memory_space<vmem>> -> memref<1x128x32xf32, #tpu.memory_space<vmem>>
      %dma_start3A_826 = tpu.memref_squeeze %dma_start3A_825 : memref<1x128x32xf32, #tpu.memory_space<vmem>> -> memref<128x32xf32, #tpu.memory_space<vmem>>
      %dma_start3A_827 = arith.constant 0 : i32
      %dma_start3A_828 = tpu.memref_slice %arg7[%arg0, %add3A_821, %dma_start3A_827] : memref<2x51200x32xf32, #tpu.memory_space<hbm>> -> memref<1x128x32xf32, #tpu.memory_space<hbm>>
      %dma_start3A_829 = tpu.memref_squeeze %dma_start3A_828 : memref<1x128x32xf32, #tpu.memory_space<hbm>> -> memref<128x32xf32, #tpu.memory_space<hbm>>
      %dma_start3A_830 = arith.constant 0 : i32
      %dma_start3A_831 = tpu.memref_slice %arg7[%arg0, %add3A_821, %dma_start3A_830] : memref<2x51200x32xf32, #tpu.memory_space<hbm>> -> memref<1x128x32xf32, #tpu.memory_space<hbm>>
      %dma_start3A_832 = tpu.memref_squeeze %dma_start3A_831 : memref<1x128x32xf32, #tpu.memory_space<hbm>> -> memref<128x32xf32, #tpu.memory_space<hbm>>
      %dma_start3A_833 = arith.constant 0 : i32
      %dma_start3A_834 = arith.constant 0 : i32
      %dma_start3A_835 = tpu.memref_slice %arg11[%dma_start3A_822, %dma_start3A_833, %dma_start3A_834] : memref<5x128x32xf32, #tpu.memory_space<vmem>> -> memref<1x128x32xf32, #tpu.memory_space<vmem>>
      %dma_start3A_836 = tpu.memref_squeeze %dma_start3A_835 : memref<1x128x32xf32, #tpu.memory_space<vmem>> -> memref<128x32xf32, #tpu.memory_space<vmem>>
      tpu.enqueue_dma source(%dma_start3A_836 : memref<128x32xf32, #tpu.memory_space<vmem>>) target(%dma_start3A_832 : memref<128x32xf32, #tpu.memory_space<hbm>>) target_semaphore(%arg17 : memref<!tpu.dma_semaphore, #tpu.memory_space<semaphore_mem>>)
      %mul3A_837 = arith.constant 3200 : i32
      %mul3A_838 = arith.muli %arg1, %mul3A_837 : i32
      %mul3A_839 = arith.constant 5 : i32
      %mul3A_840 = arith.muli %scan3A_19, %mul3A_839 : i32
      %add3A_841 = arith.constant 4 : i32
      %add3A_842 = arith.addi %mul3A_840, %add3A_841 : i32
      %mul3A_843 = arith.constant 128 : i32
      %mul3A_844 = arith.muli %add3A_842, %mul3A_843 : i32
      %add3A_845 = arith.addi %mul3A_838, %mul3A_844 : i32
      %dma_start3A_846 = arith.constant 4 : i32
      %dma_start3A_847 = arith.constant 0 : i32
      %dma_start3A_848 = arith.constant 0 : i32
      %dma_start3A_849 = tpu.memref_slice %arg11[%dma_start3A_846, %dma_start3A_847, %dma_start3A_848] : memref<5x128x32xf32, #tpu.memory_space<vmem>> -> memref<1x128x32xf32, #tpu.memory_space<vmem>>
      %dma_start3A_850 = tpu.memref_squeeze %dma_start3A_849 : memref<1x128x32xf32, #tpu.memory_space<vmem>> -> memref<128x32xf32, #tpu.memory_space<vmem>>
      %dma_start3A_851 = arith.constant 0 : i32
      %dma_start3A_852 = tpu.memref_slice %arg7[%arg0, %add3A_845, %dma_start3A_851] : memref<2x51200x32xf32, #tpu.memory_space<hbm>> -> memref<1x128x32xf32, #tpu.memory_space<hbm>>
      %dma_start3A_853 = tpu.memref_squeeze %dma_start3A_852 : memref<1x128x32xf32, #tpu.memory_space<hbm>> -> memref<128x32xf32, #tpu.memory_space<hbm>>
      %dma_start3A_854 = arith.constant 0 : i32
      %dma_start3A_855 = tpu.memref_slice %arg7[%arg0, %add3A_845, %dma_start3A_854] : memref<2x51200x32xf32, #tpu.memory_space<hbm>> -> memref<1x128x32xf32, #tpu.memory_space<hbm>>
      %dma_start3A_856 = tpu.memref_squeeze %dma_start3A_855 : memref<1x128x32xf32, #tpu.memory_space<hbm>> -> memref<128x32xf32, #tpu.memory_space<hbm>>
      %dma_start3A_857 = arith.constant 0 : i32
      %dma_start3A_858 = arith.constant 0 : i32
      %dma_start3A_859 = tpu.memref_slice %arg11[%dma_start3A_846, %dma_start3A_857, %dma_start3A_858] : memref<5x128x32xf32, #tpu.memory_space<vmem>> -> memref<1x128x32xf32, #tpu.memory_space<vmem>>
      %dma_start3A_860 = tpu.memref_squeeze %dma_start3A_859 : memref<1x128x32xf32, #tpu.memory_space<vmem>> -> memref<128x32xf32, #tpu.memory_space<vmem>>
      tpu.enqueue_dma source(%dma_start3A_860 : memref<128x32xf32, #tpu.memory_space<vmem>>) target(%dma_start3A_856 : memref<128x32xf32, #tpu.memory_space<hbm>>) target_semaphore(%arg17 : memref<!tpu.dma_semaphore, #tpu.memory_space<semaphore_mem>>)
      %dma_wait3A_861 = arith.constant 0 : i32
      %dma_wait3A_862 = arith.constant 0 : i32
      %dma_wait3A_863 = arith.constant 0 : i32
      %dma_wait3A_864 = tpu.memref_slice %arg11[%dma_wait3A_861, %dma_wait3A_862, %dma_wait3A_863] : memref<5x128x32xf32, #tpu.memory_space<vmem>> -> memref<1x128x32xf32, #tpu.memory_space<vmem>>
      %dma_wait3A_865 = tpu.memref_squeeze %dma_wait3A_864 : memref<1x128x32xf32, #tpu.memory_space<vmem>> -> memref<128x32xf32, #tpu.memory_space<vmem>>
      %dma_wait3A_866 = arith.constant 0 : i32
      %dma_wait3A_867 = tpu.memref_slice %arg7[%arg0, %add3A_749, %dma_wait3A_866] : memref<2x51200x32xf32, #tpu.memory_space<hbm>> -> memref<1x128x32xf32, #tpu.memory_space<hbm>>
      %dma_wait3A_868 = tpu.memref_squeeze %dma_wait3A_867 : memref<1x128x32xf32, #tpu.memory_space<hbm>> -> memref<128x32xf32, #tpu.memory_space<hbm>>
      %dma_wait3A_869 = arith.constant 0 : i32
      %dma_wait3A_870 = tpu.memref_slice %arg7[%arg0, %add3A_749, %dma_wait3A_869] : memref<2x51200x32xf32, #tpu.memory_space<hbm>> -> memref<1x128x32xf32, #tpu.memory_space<hbm>>
      %dma_wait3A_871 = tpu.memref_squeeze %dma_wait3A_870 : memref<1x128x32xf32, #tpu.memory_space<hbm>> -> memref<128x32xf32, #tpu.memory_space<hbm>>
      %dma_wait3A_872 = arith.constant 0 : i32
      %dma_wait3A_873 = arith.constant 0 : i32
      %dma_wait3A_874 = tpu.memref_slice %arg11[%dma_wait3A_861, %dma_wait3A_872, %dma_wait3A_873] : memref<5x128x32xf32, #tpu.memory_space<vmem>> -> memref<1x128x32xf32, #tpu.memory_space<vmem>>
      %dma_wait3A_875 = tpu.memref_squeeze %dma_wait3A_874 : memref<1x128x32xf32, #tpu.memory_space<vmem>> -> memref<128x32xf32, #tpu.memory_space<vmem>>
      tpu.wait_dma2 semaphore(%arg17 : memref<!tpu.dma_semaphore, #tpu.memory_space<semaphore_mem>>) src(%dma_wait3A_875 : memref<128x32xf32, #tpu.memory_space<vmem>>) dst(%dma_wait3A_871 : memref<128x32xf32, #tpu.memory_space<hbm>>)
      %dma_wait3A_876 = arith.constant 1 : i32
      %dma_wait3A_877 = arith.constant 0 : i32
      %dma_wait3A_878 = arith.constant 0 : i32
      %dma_wait3A_879 = tpu.memref_slice %arg11[%dma_wait3A_876, %dma_wait3A_877, %dma_wait3A_878] : memref<5x128x32xf32, #tpu.memory_space<vmem>> -> memref<1x128x32xf32, #tpu.memory_space<vmem>>
      %dma_wait3A_880 = tpu.memref_squeeze %dma_wait3A_879 : memref<1x128x32xf32, #tpu.memory_space<vmem>> -> memref<128x32xf32, #tpu.memory_space<vmem>>
      %dma_wait3A_881 = arith.constant 0 : i32
      %dma_wait3A_882 = tpu.memref_slice %arg7[%arg0, %add3A_773, %dma_wait3A_881] : memref<2x51200x32xf32, #tpu.memory_space<hbm>> -> memref<1x128x32xf32, #tpu.memory_space<hbm>>
      %dma_wait3A_883 = tpu.memref_squeeze %dma_wait3A_882 : memref<1x128x32xf32, #tpu.memory_space<hbm>> -> memref<128x32xf32, #tpu.memory_space<hbm>>
      %dma_wait3A_884 = arith.constant 0 : i32
      %dma_wait3A_885 = tpu.memref_slice %arg7[%arg0, %add3A_773, %dma_wait3A_884] : memref<2x51200x32xf32, #tpu.memory_space<hbm>> -> memref<1x128x32xf32, #tpu.memory_space<hbm>>
      %dma_wait3A_886 = tpu.memref_squeeze %dma_wait3A_885 : memref<1x128x32xf32, #tpu.memory_space<hbm>> -> memref<128x32xf32, #tpu.memory_space<hbm>>
      %dma_wait3A_887 = arith.constant 0 : i32
      %dma_wait3A_888 = arith.constant 0 : i32
      %dma_wait3A_889 = tpu.memref_slice %arg11[%dma_wait3A_876, %dma_wait3A_887, %dma_wait3A_888] : memref<5x128x32xf32, #tpu.memory_space<vmem>> -> memref<1x128x32xf32, #tpu.memory_space<vmem>>
      %dma_wait3A_890 = tpu.memref_squeeze %dma_wait3A_889 : memref<1x128x32xf32, #tpu.memory_space<vmem>> -> memref<128x32xf32, #tpu.memory_space<vmem>>
      tpu.wait_dma2 semaphore(%arg17 : memref<!tpu.dma_semaphore, #tpu.memory_space<semaphore_mem>>) src(%dma_wait3A_890 : memref<128x32xf32, #tpu.memory_space<vmem>>) dst(%dma_wait3A_886 : memref<128x32xf32, #tpu.memory_space<hbm>>)
      %dma_wait3A_891 = arith.constant 2 : i32
      %dma_wait3A_892 = arith.constant 0 : i32
      %dma_wait3A_893 = arith.constant 0 : i32
      %dma_wait3A_894 = tpu.memref_slice %arg11[%dma_wait3A_891, %dma_wait3A_892, %dma_wait3A_893] : memref<5x128x32xf32, #tpu.memory_space<vmem>> -> memref<1x128x32xf32, #tpu.memory_space<vmem>>
      %dma_wait3A_895 = tpu.memref_squeeze %dma_wait3A_894 : memref<1x128x32xf32, #tpu.memory_space<vmem>> -> memref<128x32xf32, #tpu.memory_space<vmem>>
      %dma_wait3A_896 = arith.constant 0 : i32
      %dma_wait3A_897 = tpu.memref_slice %arg7[%arg0, %add3A_797, %dma_wait3A_896] : memref<2x51200x32xf32, #tpu.memory_space<hbm>> -> memref<1x128x32xf32, #tpu.memory_space<hbm>>
      %dma_wait3A_898 = tpu.memref_squeeze %dma_wait3A_897 : memref<1x128x32xf32, #tpu.memory_space<hbm>> -> memref<128x32xf32, #tpu.memory_space<hbm>>
      %dma_wait3A_899 = arith.constant 0 : i32
      %dma_wait3A_900 = tpu.memref_slice %arg7[%arg0, %add3A_797, %dma_wait3A_899] : memref<2x51200x32xf32, #tpu.memory_space<hbm>> -> memref<1x128x32xf32, #tpu.memory_space<hbm>>
      %dma_wait3A_901 = tpu.memref_squeeze %dma_wait3A_900 : memref<1x128x32xf32, #tpu.memory_space<hbm>> -> memref<128x32xf32, #tpu.memory_space<hbm>>
      %dma_wait3A_902 = arith.constant 0 : i32
      %dma_wait3A_903 = arith.constant 0 : i32
      %dma_wait3A_904 = tpu.memref_slice %arg11[%dma_wait3A_891, %dma_wait3A_902, %dma_wait3A_903] : memref<5x128x32xf32, #tpu.memory_space<vmem>> -> memref<1x128x32xf32, #tpu.memory_space<vmem>>
      %dma_wait3A_905 = tpu.memref_squeeze %dma_wait3A_904 : memref<1x128x32xf32, #tpu.memory_space<vmem>> -> memref<128x32xf32, #tpu.memory_space<vmem>>
      tpu.wait_dma2 semaphore(%arg17 : memref<!tpu.dma_semaphore, #tpu.memory_space<semaphore_mem>>) src(%dma_wait3A_905 : memref<128x32xf32, #tpu.memory_space<vmem>>) dst(%dma_wait3A_901 : memref<128x32xf32, #tpu.memory_space<hbm>>)
      %dma_wait3A_906 = arith.constant 3 : i32
      %dma_wait3A_907 = arith.constant 0 : i32
      %dma_wait3A_908 = arith.constant 0 : i32
      %dma_wait3A_909 = tpu.memref_slice %arg11[%dma_wait3A_906, %dma_wait3A_907, %dma_wait3A_908] : memref<5x128x32xf32, #tpu.memory_space<vmem>> -> memref<1x128x32xf32, #tpu.memory_space<vmem>>
      %dma_wait3A_910 = tpu.memref_squeeze %dma_wait3A_909 : memref<1x128x32xf32, #tpu.memory_space<vmem>> -> memref<128x32xf32, #tpu.memory_space<vmem>>
      %dma_wait3A_911 = arith.constant 0 : i32
      %dma_wait3A_912 = tpu.memref_slice %arg7[%arg0, %add3A_821, %dma_wait3A_911] : memref<2x51200x32xf32, #tpu.memory_space<hbm>> -> memref<1x128x32xf32, #tpu.memory_space<hbm>>
      %dma_wait3A_913 = tpu.memref_squeeze %dma_wait3A_912 : memref<1x128x32xf32, #tpu.memory_space<hbm>> -> memref<128x32xf32, #tpu.memory_space<hbm>>
      %dma_wait3A_914 = arith.constant 0 : i32
      %dma_wait3A_915 = tpu.memref_slice %arg7[%arg0, %add3A_821, %dma_wait3A_914] : memref<2x51200x32xf32, #tpu.memory_space<hbm>> -> memref<1x128x32xf32, #tpu.memory_space<hbm>>
      %dma_wait3A_916 = tpu.memref_squeeze %dma_wait3A_915 : memref<1x128x32xf32, #tpu.memory_space<hbm>> -> memref<128x32xf32, #tpu.memory_space<hbm>>
      %dma_wait3A_917 = arith.constant 0 : i32
      %dma_wait3A_918 = arith.constant 0 : i32
      %dma_wait3A_919 = tpu.memref_slice %arg11[%dma_wait3A_906, %dma_wait3A_917, %dma_wait3A_918] : memref<5x128x32xf32, #tpu.memory_space<vmem>> -> memref<1x128x32xf32, #tpu.memory_space<vmem>>
      %dma_wait3A_920 = tpu.memref_squeeze %dma_wait3A_919 : memref<1x128x32xf32, #tpu.memory_space<vmem>> -> memref<128x32xf32, #tpu.memory_space<vmem>>
      tpu.wait_dma2 semaphore(%arg17 : memref<!tpu.dma_semaphore, #tpu.memory_space<semaphore_mem>>) src(%dma_wait3A_920 : memref<128x32xf32, #tpu.memory_space<vmem>>) dst(%dma_wait3A_916 : memref<128x32xf32, #tpu.memory_space<hbm>>)
      %dma_wait3A_921 = arith.constant 4 : i32
      %dma_wait3A_922 = arith.constant 0 : i32
      %dma_wait3A_923 = arith.constant 0 : i32
      %dma_wait3A_924 = tpu.memref_slice %arg11[%dma_wait3A_921, %dma_wait3A_922, %dma_wait3A_923] : memref<5x128x32xf32, #tpu.memory_space<vmem>> -> memref<1x128x32xf32, #tpu.memory_space<vmem>>
      %dma_wait3A_925 = tpu.memref_squeeze %dma_wait3A_924 : memref<1x128x32xf32, #tpu.memory_space<vmem>> -> memref<128x32xf32, #tpu.memory_space<vmem>>
      %dma_wait3A_926 = arith.constant 0 : i32
      %dma_wait3A_927 = tpu.memref_slice %arg7[%arg0, %add3A_845, %dma_wait3A_926] : memref<2x51200x32xf32, #tpu.memory_space<hbm>> -> memref<1x128x32xf32, #tpu.memory_space<hbm>>
      %dma_wait3A_928 = tpu.memref_squeeze %dma_wait3A_927 : memref<1x128x32xf32, #tpu.memory_space<hbm>> -> memref<128x32xf32, #tpu.memory_space<hbm>>
      %dma_wait3A_929 = arith.constant 0 : i32
      %dma_wait3A_930 = tpu.memref_slice %arg7[%arg0, %add3A_845, %dma_wait3A_929] : memref<2x51200x32xf32, #tpu.memory_space<hbm>> -> memref<1x128x32xf32, #tpu.memory_space<hbm>>
      %dma_wait3A_931 = tpu.memref_squeeze %dma_wait3A_930 : memref<1x128x32xf32, #tpu.memory_space<hbm>> -> memref<128x32xf32, #tpu.memory_space<hbm>>
      %dma_wait3A_932 = arith.constant 0 : i32
      %dma_wait3A_933 = arith.constant 0 : i32
      %dma_wait3A_934 = tpu.memref_slice %arg11[%dma_wait3A_921, %dma_wait3A_932, %dma_wait3A_933] : memref<5x128x32xf32, #tpu.memory_space<vmem>> -> memref<1x128x32xf32, #tpu.memory_space<vmem>>
      %dma_wait3A_935 = tpu.memref_squeeze %dma_wait3A_934 : memref<1x128x32xf32, #tpu.memory_space<vmem>> -> memref<128x32xf32, #tpu.memory_space<vmem>>
      tpu.wait_dma2 semaphore(%arg17 : memref<!tpu.dma_semaphore, #tpu.memory_space<semaphore_mem>>) src(%dma_wait3A_935 : memref<128x32xf32, #tpu.memory_space<vmem>>) dst(%dma_wait3A_931 : memref<128x32xf32, #tpu.memory_space<hbm>>)
    }
    %scan3A_4 = arith.constant 5 : i32
    %mul3A = arith.constant 3200 : i32
    %mul3A_5 = arith.muli %arg1, %mul3A : i32
    "tpu.region"() ({
      %run_scoped3A = tpu.sem_alloc : memref<!tpu.dma_semaphore, #tpu.memory_space<semaphore_mem>>
      %dma_start3A = arith.constant 0 : i32
      %dma_start3A_19 = tpu.memref_slice %arg14[%mul3A_5, %dma_start3A] : memref<51200x8xf32, #tpu.memory_space<vmem_shared>> -> memref<3200x8xf32, #tpu.memory_space<vmem_shared>>
      tpu.enqueue_dma source(%arg5 : memref<3200x8xf32, #tpu.memory_space<hbm>>) target(%dma_start3A_19 : memref<3200x8xf32, #tpu.memory_space<vmem_shared>>) target_semaphore(%run_scoped3A : memref<!tpu.dma_semaphore, #tpu.memory_space<semaphore_mem>>)
      %dma_wait3A = arith.constant 0 : i32
      %dma_wait3A_20 = tpu.memref_slice %arg14[%mul3A_5, %dma_wait3A] : memref<51200x8xf32, #tpu.memory_space<vmem_shared>> -> memref<3200x8xf32, #tpu.memory_space<vmem_shared>>
      tpu.wait_dma2 semaphore(%run_scoped3A : memref<!tpu.dma_semaphore, #tpu.memory_space<semaphore_mem>>) src(%arg5 : memref<3200x8xf32, #tpu.memory_space<hbm>>) dst(%dma_wait3A_20 : memref<3200x8xf32, #tpu.memory_space<vmem_shared>>)
      tpu.yield
    }) : () -> ()
    "tpu.region"() ({
      %run_scoped3A = tpu.sem_alloc : memref<!tpu.dma_semaphore, #tpu.memory_space<semaphore_mem>>
      tpu.enqueue_dma source(%arg6 : memref<128x8xf32, #tpu.memory_space<hbm>>) target(%arg13 : memref<128x8xf32, #tpu.memory_space<vmem>>) target_semaphore(%run_scoped3A : memref<!tpu.dma_semaphore, #tpu.memory_space<semaphore_mem>>)
      tpu.wait_dma2 semaphore(%run_scoped3A : memref<!tpu.dma_semaphore, #tpu.memory_space<semaphore_mem>>) src(%arg6 : memref<128x8xf32, #tpu.memory_space<hbm>>) dst(%arg13 : memref<128x8xf32, #tpu.memory_space<vmem>>)
      tpu.yield
    }) : () -> ()
    %barrier3A = arith.constant 0 : index
    tpu.barrier barrier_id(%barrier3A)
    %mul3A_6 = arith.constant 2 : i32
    %mul3A_7 = arith.muli %arg1, %mul3A_6 : i32
    %add3A = arith.addi %mul3A_7, %arg0 : i32
    %scan3A_8 = arith.constant 0 : i32
    %scan3A_9 = arith.constant 0 : i32
    %scan3A_10 = arith.constant 10 : i32
    %scan3A_11 = arith.addi %scan3A_9, %scan3A_10 : i32
    %scan3A_12 = arith.constant 1 : i32
    scf.for %scan3A_19 = %scan3A_9 to %scan3A_11 step %scan3A_12  : i32 {
      %mul3A_20 = arith.constant 200 : i32
      %mul3A_21 = arith.muli %add3A, %mul3A_20 : i32
      %mul3A_22 = arith.constant 20 : i32
      %mul3A_23 = arith.muli %scan3A_19, %mul3A_22 : i32
      %add3A_24 = arith.addi %mul3A_21, %mul3A_23 : i32
      "tpu.region"() ({
        %run_scoped3A = tpu.sem_alloc : memref<!tpu.dma_semaphore, #tpu.memory_space<semaphore_mem>>
        %dma_start3A_303 = arith.constant 0 : i32
        %dma_start3A_304 = tpu.memref_slice %arg4[%add3A_24, %dma_start3A_303] : memref<6400x128xi32, #tpu.memory_space<hbm>> -> memref<20x128xi32, #tpu.memory_space<hbm>>
        %dma_start3A_305 = arith.constant 0 : i32
        %dma_start3A_306 = tpu.memref_slice %arg4[%add3A_24, %dma_start3A_305] : memref<6400x128xi32, #tpu.memory_space<hbm>> -> memref<20x128xi32, #tpu.memory_space<hbm>>
        tpu.enqueue_dma source(%dma_start3A_306 : memref<20x128xi32, #tpu.memory_space<hbm>>) target(%arg12 : memref<20x128xi32, #tpu.memory_space<vmem>>) target_semaphore(%run_scoped3A : memref<!tpu.dma_semaphore, #tpu.memory_space<semaphore_mem>>)
        %dma_wait3A_307 = arith.constant 0 : i32
        %dma_wait3A_308 = tpu.memref_slice %arg4[%add3A_24, %dma_wait3A_307] : memref<6400x128xi32, #tpu.memory_space<hbm>> -> memref<20x128xi32, #tpu.memory_space<hbm>>
        %dma_wait3A_309 = arith.constant 0 : i32
        %dma_wait3A_310 = tpu.memref_slice %arg4[%add3A_24, %dma_wait3A_309] : memref<6400x128xi32, #tpu.memory_space<hbm>> -> memref<20x128xi32, #tpu.memory_space<hbm>>
        tpu.wait_dma2 semaphore(%run_scoped3A : memref<!tpu.dma_semaphore, #tpu.memory_space<semaphore_mem>>) src(%dma_wait3A_310 : memref<20x128xi32, #tpu.memory_space<hbm>>) dst(%arg12 : memref<20x128xi32, #tpu.memory_space<vmem>>)
        tpu.yield
      }) : () -> ()
      %dma_start3A = arith.constant 0 : i32
      %dma_start3A_25 = arith.constant 0 : i32
      %dma_start3A_26 = tpu.memref_slice %arg12[%dma_start3A, %dma_start3A_25] : memref<20x128xi32, #tpu.memory_space<vmem>> -> memref<1x128xi32, #tpu.memory_space<vmem>>
      %dma_start3A_27 = tpu.memref_squeeze %dma_start3A_26 : memref<1x128xi32, #tpu.memory_space<vmem>> -> memref<128xi32, #tpu.memory_space<vmem>>
      %dma_start3A_28 = arith.constant 0 : i32
      %dma_start3A_29 = arith.constant 0 : i32
      %dma_start3A_30 = tpu.memref_slice %arg14[%dma_start3A_28, %dma_start3A_29] : memref<51200x8xf32, #tpu.memory_space<vmem_shared>> -> memref<51200x8xf32, #tpu.memory_space<vmem_shared>>
      tpu.enqueue_indirect_dma source(%arg13 : memref<128x8xf32, #tpu.memory_space<vmem>>) target(%dma_start3A_30 : memref<51200x8xf32, #tpu.memory_space<vmem_shared>>) offsets(%dma_start3A_27 : memref<128xi32, #tpu.memory_space<vmem>>) semaphore(%arg16 : memref<!tpu.dma_semaphore, #tpu.memory_space<semaphore_mem>>) {add = true}
      %dma_start3A_31 = arith.constant 1 : i32
      %dma_start3A_32 = arith.constant 0 : i32
      %dma_start3A_33 = tpu.memref_slice %arg12[%dma_start3A_31, %dma_start3A_32] : memref<20x128xi32, #tpu.memory_space<vmem>> -> memref<1x128xi32, #tpu.memory_space<vmem>>
      %dma_start3A_34 = tpu.memref_squeeze %dma_start3A_33 : memref<1x128xi32, #tpu.memory_space<vmem>> -> memref<128xi32, #tpu.memory_space<vmem>>
      %dma_start3A_35 = arith.constant 0 : i32
      %dma_start3A_36 = arith.constant 0 : i32
      %dma_start3A_37 = tpu.memref_slice %arg14[%dma_start3A_35, %dma_start3A_36] : memref<51200x8xf32, #tpu.memory_space<vmem_shared>> -> memref<51200x8xf32, #tpu.memory_space<vmem_shared>>
      tpu.enqueue_indirect_dma source(%arg13 : memref<128x8xf32, #tpu.memory_space<vmem>>) target(%dma_start3A_37 : memref<51200x8xf32, #tpu.memory_space<vmem_shared>>) offsets(%dma_start3A_34 : memref<128xi32, #tpu.memory_space<vmem>>) semaphore(%arg16 : memref<!tpu.dma_semaphore, #tpu.memory_space<semaphore_mem>>) {add = true}
      %dma_start3A_38 = arith.constant 2 : i32
      %dma_start3A_39 = arith.constant 0 : i32
      %dma_start3A_40 = tpu.memref_slice %arg12[%dma_start3A_38, %dma_start3A_39] : memref<20x128xi32, #tpu.memory_space<vmem>> -> memref<1x128xi32, #tpu.memory_space<vmem>>
      %dma_start3A_41 = tpu.memref_squeeze %dma_start3A_40 : memref<1x128xi32, #tpu.memory_space<vmem>> -> memref<128xi32, #tpu.memory_space<vmem>>
      %dma_start3A_42 = arith.constant 0 : i32
      %dma_start3A_43 = arith.constant 0 : i32
      %dma_start3A_44 = tpu.memref_slice %arg14[%dma_start3A_42, %dma_start3A_43] : memref<51200x8xf32, #tpu.memory_space<vmem_shared>> -> memref<51200x8xf32, #tpu.memory_space<vmem_shared>>
      tpu.enqueue_indirect_dma source(%arg13 : memref<128x8xf32, #tpu.memory_space<vmem>>) target(%dma_start3A_44 : memref<51200x8xf32, #tpu.memory_space<vmem_shared>>) offsets(%dma_start3A_41 : memref<128xi32, #tpu.memory_space<vmem>>) semaphore(%arg16 : memref<!tpu.dma_semaphore, #tpu.memory_space<semaphore_mem>>) {add = true}
      %dma_start3A_45 = arith.constant 3 : i32
      %dma_start3A_46 = arith.constant 0 : i32
      %dma_start3A_47 = tpu.memref_slice %arg12[%dma_start3A_45, %dma_start3A_46] : memref<20x128xi32, #tpu.memory_space<vmem>> -> memref<1x128xi32, #tpu.memory_space<vmem>>
      %dma_start3A_48 = tpu.memref_squeeze %dma_start3A_47 : memref<1x128xi32, #tpu.memory_space<vmem>> -> memref<128xi32, #tpu.memory_space<vmem>>
      %dma_start3A_49 = arith.constant 0 : i32
      %dma_start3A_50 = arith.constant 0 : i32
      %dma_start3A_51 = tpu.memref_slice %arg14[%dma_start3A_49, %dma_start3A_50] : memref<51200x8xf32, #tpu.memory_space<vmem_shared>> -> memref<51200x8xf32, #tpu.memory_space<vmem_shared>>
      tpu.enqueue_indirect_dma source(%arg13 : memref<128x8xf32, #tpu.memory_space<vmem>>) target(%dma_start3A_51 : memref<51200x8xf32, #tpu.memory_space<vmem_shared>>) offsets(%dma_start3A_48 : memref<128xi32, #tpu.memory_space<vmem>>) semaphore(%arg16 : memref<!tpu.dma_semaphore, #tpu.memory_space<semaphore_mem>>) {add = true}
      %dma_start3A_52 = arith.constant 4 : i32
      %dma_start3A_53 = arith.constant 0 : i32
      %dma_start3A_54 = tpu.memref_slice %arg12[%dma_start3A_52, %dma_start3A_53] : memref<20x128xi32, #tpu.memory_space<vmem>> -> memref<1x128xi32, #tpu.memory_space<vmem>>
      %dma_start3A_55 = tpu.memref_squeeze %dma_start3A_54 : memref<1x128xi32, #tpu.memory_space<vmem>> -> memref<128xi32, #tpu.memory_space<vmem>>
      %dma_start3A_56 = arith.constant 0 : i32
      %dma_start3A_57 = arith.constant 0 : i32
      %dma_start3A_58 = tpu.memref_slice %arg14[%dma_start3A_56, %dma_start3A_57] : memref<51200x8xf32, #tpu.memory_space<vmem_shared>> -> memref<51200x8xf32, #tpu.memory_space<vmem_shared>>
      tpu.enqueue_indirect_dma source(%arg13 : memref<128x8xf32, #tpu.memory_space<vmem>>) target(%dma_start3A_58 : memref<51200x8xf32, #tpu.memory_space<vmem_shared>>) offsets(%dma_start3A_55 : memref<128xi32, #tpu.memory_space<vmem>>) semaphore(%arg16 : memref<!tpu.dma_semaphore, #tpu.memory_space<semaphore_mem>>) {add = true}
      %dma_start3A_59 = arith.constant 5 : i32
      %dma_start3A_60 = arith.constant 0 : i32
      %dma_start3A_61 = tpu.memref_slice %arg12[%dma_start3A_59, %dma_start3A_60] : memref<20x128xi32, #tpu.memory_space<vmem>> -> memref<1x128xi32, #tpu.memory_space<vmem>>
      %dma_start3A_62 = tpu.memref_squeeze %dma_start3A_61 : memref<1x128xi32, #tpu.memory_space<vmem>> -> memref<128xi32, #tpu.memory_space<vmem>>
      %dma_start3A_63 = arith.constant 0 : i32
      %dma_start3A_64 = arith.constant 0 : i32
      %dma_start3A_65 = tpu.memref_slice %arg14[%dma_start3A_63, %dma_start3A_64] : memref<51200x8xf32, #tpu.memory_space<vmem_shared>> -> memref<51200x8xf32, #tpu.memory_space<vmem_shared>>
      tpu.enqueue_indirect_dma source(%arg13 : memref<128x8xf32, #tpu.memory_space<vmem>>) target(%dma_start3A_65 : memref<51200x8xf32, #tpu.memory_space<vmem_shared>>) offsets(%dma_start3A_62 : memref<128xi32, #tpu.memory_space<vmem>>) semaphore(%arg16 : memref<!tpu.dma_semaphore, #tpu.memory_space<semaphore_mem>>) {add = true}
      %dma_start3A_66 = arith.constant 6 : i32
      %dma_start3A_67 = arith.constant 0 : i32
      %dma_start3A_68 = tpu.memref_slice %arg12[%dma_start3A_66, %dma_start3A_67] : memref<20x128xi32, #tpu.memory_space<vmem>> -> memref<1x128xi32, #tpu.memory_space<vmem>>
      %dma_start3A_69 = tpu.memref_squeeze %dma_start3A_68 : memref<1x128xi32, #tpu.memory_space<vmem>> -> memref<128xi32, #tpu.memory_space<vmem>>
      %dma_start3A_70 = arith.constant 0 : i32
      %dma_start3A_71 = arith.constant 0 : i32
      %dma_start3A_72 = tpu.memref_slice %arg14[%dma_start3A_70, %dma_start3A_71] : memref<51200x8xf32, #tpu.memory_space<vmem_shared>> -> memref<51200x8xf32, #tpu.memory_space<vmem_shared>>
      tpu.enqueue_indirect_dma source(%arg13 : memref<128x8xf32, #tpu.memory_space<vmem>>) target(%dma_start3A_72 : memref<51200x8xf32, #tpu.memory_space<vmem_shared>>) offsets(%dma_start3A_69 : memref<128xi32, #tpu.memory_space<vmem>>) semaphore(%arg16 : memref<!tpu.dma_semaphore, #tpu.memory_space<semaphore_mem>>) {add = true}
      %dma_start3A_73 = arith.constant 7 : i32
      %dma_start3A_74 = arith.constant 0 : i32
      %dma_start3A_75 = tpu.memref_slice %arg12[%dma_start3A_73, %dma_start3A_74] : memref<20x128xi32, #tpu.memory_space<vmem>> -> memref<1x128xi32, #tpu.memory_space<vmem>>
      %dma_start3A_76 = tpu.memref_squeeze %dma_start3A_75 : memref<1x128xi32, #tpu.memory_space<vmem>> -> memref<128xi32, #tpu.memory_space<vmem>>
      %dma_start3A_77 = arith.constant 0 : i32
      %dma_start3A_78 = arith.constant 0 : i32
      %dma_start3A_79 = tpu.memref_slice %arg14[%dma_start3A_77, %dma_start3A_78] : memref<51200x8xf32, #tpu.memory_space<vmem_shared>> -> memref<51200x8xf32, #tpu.memory_space<vmem_shared>>
      tpu.enqueue_indirect_dma source(%arg13 : memref<128x8xf32, #tpu.memory_space<vmem>>) target(%dma_start3A_79 : memref<51200x8xf32, #tpu.memory_space<vmem_shared>>) offsets(%dma_start3A_76 : memref<128xi32, #tpu.memory_space<vmem>>) semaphore(%arg16 : memref<!tpu.dma_semaphore, #tpu.memory_space<semaphore_mem>>) {add = true}
      %dma_start3A_80 = arith.constant 8 : i32
      %dma_start3A_81 = arith.constant 0 : i32
      %dma_start3A_82 = tpu.memref_slice %arg12[%dma_start3A_80, %dma_start3A_81] : memref<20x128xi32, #tpu.memory_space<vmem>> -> memref<1x128xi32, #tpu.memory_space<vmem>>
      %dma_start3A_83 = tpu.memref_squeeze %dma_start3A_82 : memref<1x128xi32, #tpu.memory_space<vmem>> -> memref<128xi32, #tpu.memory_space<vmem>>
      %dma_start3A_84 = arith.constant 0 : i32
      %dma_start3A_85 = arith.constant 0 : i32
      %dma_start3A_86 = tpu.memref_slice %arg14[%dma_start3A_84, %dma_start3A_85] : memref<51200x8xf32, #tpu.memory_space<vmem_shared>> -> memref<51200x8xf32, #tpu.memory_space<vmem_shared>>
      tpu.enqueue_indirect_dma source(%arg13 : memref<128x8xf32, #tpu.memory_space<vmem>>) target(%dma_start3A_86 : memref<51200x8xf32, #tpu.memory_space<vmem_shared>>) offsets(%dma_start3A_83 : memref<128xi32, #tpu.memory_space<vmem>>) semaphore(%arg16 : memref<!tpu.dma_semaphore, #tpu.memory_space<semaphore_mem>>) {add = true}
      %dma_start3A_87 = arith.constant 9 : i32
      %dma_start3A_88 = arith.constant 0 : i32
      %dma_start3A_89 = tpu.memref_slice %arg12[%dma_start3A_87, %dma_start3A_88] : memref<20x128xi32, #tpu.memory_space<vmem>> -> memref<1x128xi32, #tpu.memory_space<vmem>>
      %dma_start3A_90 = tpu.memref_squeeze %dma_start3A_89 : memref<1x128xi32, #tpu.memory_space<vmem>> -> memref<128xi32, #tpu.memory_space<vmem>>
      %dma_start3A_91 = arith.constant 0 : i32
      %dma_start3A_92 = arith.constant 0 : i32
      %dma_start3A_93 = tpu.memref_slice %arg14[%dma_start3A_91, %dma_start3A_92] : memref<51200x8xf32, #tpu.memory_space<vmem_shared>> -> memref<51200x8xf32, #tpu.memory_space<vmem_shared>>
      tpu.enqueue_indirect_dma source(%arg13 : memref<128x8xf32, #tpu.memory_space<vmem>>) target(%dma_start3A_93 : memref<51200x8xf32, #tpu.memory_space<vmem_shared>>) offsets(%dma_start3A_90 : memref<128xi32, #tpu.memory_space<vmem>>) semaphore(%arg16 : memref<!tpu.dma_semaphore, #tpu.memory_space<semaphore_mem>>) {add = true}
      %dma_start3A_94 = arith.constant 10 : i32
      %dma_start3A_95 = arith.constant 0 : i32
      %dma_start3A_96 = tpu.memref_slice %arg12[%dma_start3A_94, %dma_start3A_95] : memref<20x128xi32, #tpu.memory_space<vmem>> -> memref<1x128xi32, #tpu.memory_space<vmem>>
      %dma_start3A_97 = tpu.memref_squeeze %dma_start3A_96 : memref<1x128xi32, #tpu.memory_space<vmem>> -> memref<128xi32, #tpu.memory_space<vmem>>
      %dma_start3A_98 = arith.constant 0 : i32
      %dma_start3A_99 = arith.constant 0 : i32
      %dma_start3A_100 = tpu.memref_slice %arg14[%dma_start3A_98, %dma_start3A_99] : memref<51200x8xf32, #tpu.memory_space<vmem_shared>> -> memref<51200x8xf32, #tpu.memory_space<vmem_shared>>
      tpu.enqueue_indirect_dma source(%arg13 : memref<128x8xf32, #tpu.memory_space<vmem>>) target(%dma_start3A_100 : memref<51200x8xf32, #tpu.memory_space<vmem_shared>>) offsets(%dma_start3A_97 : memref<128xi32, #tpu.memory_space<vmem>>) semaphore(%arg16 : memref<!tpu.dma_semaphore, #tpu.memory_space<semaphore_mem>>) {add = true}
      %dma_start3A_101 = arith.constant 11 : i32
      %dma_start3A_102 = arith.constant 0 : i32
      %dma_start3A_103 = tpu.memref_slice %arg12[%dma_start3A_101, %dma_start3A_102] : memref<20x128xi32, #tpu.memory_space<vmem>> -> memref<1x128xi32, #tpu.memory_space<vmem>>
      %dma_start3A_104 = tpu.memref_squeeze %dma_start3A_103 : memref<1x128xi32, #tpu.memory_space<vmem>> -> memref<128xi32, #tpu.memory_space<vmem>>
      %dma_start3A_105 = arith.constant 0 : i32
      %dma_start3A_106 = arith.constant 0 : i32
      %dma_start3A_107 = tpu.memref_slice %arg14[%dma_start3A_105, %dma_start3A_106] : memref<51200x8xf32, #tpu.memory_space<vmem_shared>> -> memref<51200x8xf32, #tpu.memory_space<vmem_shared>>
      tpu.enqueue_indirect_dma source(%arg13 : memref<128x8xf32, #tpu.memory_space<vmem>>) target(%dma_start3A_107 : memref<51200x8xf32, #tpu.memory_space<vmem_shared>>) offsets(%dma_start3A_104 : memref<128xi32, #tpu.memory_space<vmem>>) semaphore(%arg16 : memref<!tpu.dma_semaphore, #tpu.memory_space<semaphore_mem>>) {add = true}
      %dma_start3A_108 = arith.constant 12 : i32
      %dma_start3A_109 = arith.constant 0 : i32
      %dma_start3A_110 = tpu.memref_slice %arg12[%dma_start3A_108, %dma_start3A_109] : memref<20x128xi32, #tpu.memory_space<vmem>> -> memref<1x128xi32, #tpu.memory_space<vmem>>
      %dma_start3A_111 = tpu.memref_squeeze %dma_start3A_110 : memref<1x128xi32, #tpu.memory_space<vmem>> -> memref<128xi32, #tpu.memory_space<vmem>>
      %dma_start3A_112 = arith.constant 0 : i32
      %dma_start3A_113 = arith.constant 0 : i32
      %dma_start3A_114 = tpu.memref_slice %arg14[%dma_start3A_112, %dma_start3A_113] : memref<51200x8xf32, #tpu.memory_space<vmem_shared>> -> memref<51200x8xf32, #tpu.memory_space<vmem_shared>>
      tpu.enqueue_indirect_dma source(%arg13 : memref<128x8xf32, #tpu.memory_space<vmem>>) target(%dma_start3A_114 : memref<51200x8xf32, #tpu.memory_space<vmem_shared>>) offsets(%dma_start3A_111 : memref<128xi32, #tpu.memory_space<vmem>>) semaphore(%arg16 : memref<!tpu.dma_semaphore, #tpu.memory_space<semaphore_mem>>) {add = true}
      %dma_start3A_115 = arith.constant 13 : i32
      %dma_start3A_116 = arith.constant 0 : i32
      %dma_start3A_117 = tpu.memref_slice %arg12[%dma_start3A_115, %dma_start3A_116] : memref<20x128xi32, #tpu.memory_space<vmem>> -> memref<1x128xi32, #tpu.memory_space<vmem>>
      %dma_start3A_118 = tpu.memref_squeeze %dma_start3A_117 : memref<1x128xi32, #tpu.memory_space<vmem>> -> memref<128xi32, #tpu.memory_space<vmem>>
      %dma_start3A_119 = arith.constant 0 : i32
      %dma_start3A_120 = arith.constant 0 : i32
      %dma_start3A_121 = tpu.memref_slice %arg14[%dma_start3A_119, %dma_start3A_120] : memref<51200x8xf32, #tpu.memory_space<vmem_shared>> -> memref<51200x8xf32, #tpu.memory_space<vmem_shared>>
      tpu.enqueue_indirect_dma source(%arg13 : memref<128x8xf32, #tpu.memory_space<vmem>>) target(%dma_start3A_121 : memref<51200x8xf32, #tpu.memory_space<vmem_shared>>) offsets(%dma_start3A_118 : memref<128xi32, #tpu.memory_space<vmem>>) semaphore(%arg16 : memref<!tpu.dma_semaphore, #tpu.memory_space<semaphore_mem>>) {add = true}
      %dma_start3A_122 = arith.constant 14 : i32
      %dma_start3A_123 = arith.constant 0 : i32
      %dma_start3A_124 = tpu.memref_slice %arg12[%dma_start3A_122, %dma_start3A_123] : memref<20x128xi32, #tpu.memory_space<vmem>> -> memref<1x128xi32, #tpu.memory_space<vmem>>
      %dma_start3A_125 = tpu.memref_squeeze %dma_start3A_124 : memref<1x128xi32, #tpu.memory_space<vmem>> -> memref<128xi32, #tpu.memory_space<vmem>>
      %dma_start3A_126 = arith.constant 0 : i32
      %dma_start3A_127 = arith.constant 0 : i32
      %dma_start3A_128 = tpu.memref_slice %arg14[%dma_start3A_126, %dma_start3A_127] : memref<51200x8xf32, #tpu.memory_space<vmem_shared>> -> memref<51200x8xf32, #tpu.memory_space<vmem_shared>>
      tpu.enqueue_indirect_dma source(%arg13 : memref<128x8xf32, #tpu.memory_space<vmem>>) target(%dma_start3A_128 : memref<51200x8xf32, #tpu.memory_space<vmem_shared>>) offsets(%dma_start3A_125 : memref<128xi32, #tpu.memory_space<vmem>>) semaphore(%arg16 : memref<!tpu.dma_semaphore, #tpu.memory_space<semaphore_mem>>) {add = true}
      %dma_start3A_129 = arith.constant 15 : i32
      %dma_start3A_130 = arith.constant 0 : i32
      %dma_start3A_131 = tpu.memref_slice %arg12[%dma_start3A_129, %dma_start3A_130] : memref<20x128xi32, #tpu.memory_space<vmem>> -> memref<1x128xi32, #tpu.memory_space<vmem>>
      %dma_start3A_132 = tpu.memref_squeeze %dma_start3A_131 : memref<1x128xi32, #tpu.memory_space<vmem>> -> memref<128xi32, #tpu.memory_space<vmem>>
      %dma_start3A_133 = arith.constant 0 : i32
      %dma_start3A_134 = arith.constant 0 : i32
      %dma_start3A_135 = tpu.memref_slice %arg14[%dma_start3A_133, %dma_start3A_134] : memref<51200x8xf32, #tpu.memory_space<vmem_shared>> -> memref<51200x8xf32, #tpu.memory_space<vmem_shared>>
      tpu.enqueue_indirect_dma source(%arg13 : memref<128x8xf32, #tpu.memory_space<vmem>>) target(%dma_start3A_135 : memref<51200x8xf32, #tpu.memory_space<vmem_shared>>) offsets(%dma_start3A_132 : memref<128xi32, #tpu.memory_space<vmem>>) semaphore(%arg16 : memref<!tpu.dma_semaphore, #tpu.memory_space<semaphore_mem>>) {add = true}
      %dma_start3A_136 = arith.constant 16 : i32
      %dma_start3A_137 = arith.constant 0 : i32
      %dma_start3A_138 = tpu.memref_slice %arg12[%dma_start3A_136, %dma_start3A_137] : memref<20x128xi32, #tpu.memory_space<vmem>> -> memref<1x128xi32, #tpu.memory_space<vmem>>
      %dma_start3A_139 = tpu.memref_squeeze %dma_start3A_138 : memref<1x128xi32, #tpu.memory_space<vmem>> -> memref<128xi32, #tpu.memory_space<vmem>>
      %dma_start3A_140 = arith.constant 0 : i32
      %dma_start3A_141 = arith.constant 0 : i32
      %dma_start3A_142 = tpu.memref_slice %arg14[%dma_start3A_140, %dma_start3A_141] : memref<51200x8xf32, #tpu.memory_space<vmem_shared>> -> memref<51200x8xf32, #tpu.memory_space<vmem_shared>>
      tpu.enqueue_indirect_dma source(%arg13 : memref<128x8xf32, #tpu.memory_space<vmem>>) target(%dma_start3A_142 : memref<51200x8xf32, #tpu.memory_space<vmem_shared>>) offsets(%dma_start3A_139 : memref<128xi32, #tpu.memory_space<vmem>>) semaphore(%arg16 : memref<!tpu.dma_semaphore, #tpu.memory_space<semaphore_mem>>) {add = true}
      %dma_start3A_143 = arith.constant 17 : i32
      %dma_start3A_144 = arith.constant 0 : i32
      %dma_start3A_145 = tpu.memref_slice %arg12[%dma_start3A_143, %dma_start3A_144] : memref<20x128xi32, #tpu.memory_space<vmem>> -> memref<1x128xi32, #tpu.memory_space<vmem>>
      %dma_start3A_146 = tpu.memref_squeeze %dma_start3A_145 : memref<1x128xi32, #tpu.memory_space<vmem>> -> memref<128xi32, #tpu.memory_space<vmem>>
      %dma_start3A_147 = arith.constant 0 : i32
      %dma_start3A_148 = arith.constant 0 : i32
      %dma_start3A_149 = tpu.memref_slice %arg14[%dma_start3A_147, %dma_start3A_148] : memref<51200x8xf32, #tpu.memory_space<vmem_shared>> -> memref<51200x8xf32, #tpu.memory_space<vmem_shared>>
      tpu.enqueue_indirect_dma source(%arg13 : memref<128x8xf32, #tpu.memory_space<vmem>>) target(%dma_start3A_149 : memref<51200x8xf32, #tpu.memory_space<vmem_shared>>) offsets(%dma_start3A_146 : memref<128xi32, #tpu.memory_space<vmem>>) semaphore(%arg16 : memref<!tpu.dma_semaphore, #tpu.memory_space<semaphore_mem>>) {add = true}
      %dma_start3A_150 = arith.constant 18 : i32
      %dma_start3A_151 = arith.constant 0 : i32
      %dma_start3A_152 = tpu.memref_slice %arg12[%dma_start3A_150, %dma_start3A_151] : memref<20x128xi32, #tpu.memory_space<vmem>> -> memref<1x128xi32, #tpu.memory_space<vmem>>
      %dma_start3A_153 = tpu.memref_squeeze %dma_start3A_152 : memref<1x128xi32, #tpu.memory_space<vmem>> -> memref<128xi32, #tpu.memory_space<vmem>>
      %dma_start3A_154 = arith.constant 0 : i32
      %dma_start3A_155 = arith.constant 0 : i32
      %dma_start3A_156 = tpu.memref_slice %arg14[%dma_start3A_154, %dma_start3A_155] : memref<51200x8xf32, #tpu.memory_space<vmem_shared>> -> memref<51200x8xf32, #tpu.memory_space<vmem_shared>>
      tpu.enqueue_indirect_dma source(%arg13 : memref<128x8xf32, #tpu.memory_space<vmem>>) target(%dma_start3A_156 : memref<51200x8xf32, #tpu.memory_space<vmem_shared>>) offsets(%dma_start3A_153 : memref<128xi32, #tpu.memory_space<vmem>>) semaphore(%arg16 : memref<!tpu.dma_semaphore, #tpu.memory_space<semaphore_mem>>) {add = true}
      %dma_start3A_157 = arith.constant 19 : i32
      %dma_start3A_158 = arith.constant 0 : i32
      %dma_start3A_159 = tpu.memref_slice %arg12[%dma_start3A_157, %dma_start3A_158] : memref<20x128xi32, #tpu.memory_space<vmem>> -> memref<1x128xi32, #tpu.memory_space<vmem>>
      %dma_start3A_160 = tpu.memref_squeeze %dma_start3A_159 : memref<1x128xi32, #tpu.memory_space<vmem>> -> memref<128xi32, #tpu.memory_space<vmem>>
      %dma_start3A_161 = arith.constant 0 : i32
      %dma_start3A_162 = arith.constant 0 : i32
      %dma_start3A_163 = tpu.memref_slice %arg14[%dma_start3A_161, %dma_start3A_162] : memref<51200x8xf32, #tpu.memory_space<vmem_shared>> -> memref<51200x8xf32, #tpu.memory_space<vmem_shared>>
      tpu.enqueue_indirect_dma source(%arg13 : memref<128x8xf32, #tpu.memory_space<vmem>>) target(%dma_start3A_163 : memref<51200x8xf32, #tpu.memory_space<vmem_shared>>) offsets(%dma_start3A_160 : memref<128xi32, #tpu.memory_space<vmem>>) semaphore(%arg16 : memref<!tpu.dma_semaphore, #tpu.memory_space<semaphore_mem>>) {add = true}
      %dma_wait3A = arith.constant 0 : i32
      %dma_wait3A_164 = arith.constant 0 : i32
      %dma_wait3A_165 = tpu.memref_slice %arg12[%dma_wait3A, %dma_wait3A_164] : memref<20x128xi32, #tpu.memory_space<vmem>> -> memref<1x128xi32, #tpu.memory_space<vmem>>
      %dma_wait3A_166 = tpu.memref_squeeze %dma_wait3A_165 : memref<1x128xi32, #tpu.memory_space<vmem>> -> memref<128xi32, #tpu.memory_space<vmem>>
      %dma_wait3A_167 = arith.constant 0 : i32
      %dma_wait3A_168 = arith.constant 0 : i32
      %dma_wait3A_169 = tpu.memref_slice %arg14[%dma_wait3A_167, %dma_wait3A_168] : memref<51200x8xf32, #tpu.memory_space<vmem_shared>> -> memref<51200x8xf32, #tpu.memory_space<vmem_shared>>
      tpu.wait_indirect_dma semaphore(%arg16 : memref<!tpu.dma_semaphore, #tpu.memory_space<semaphore_mem>>) src(%arg13 : memref<128x8xf32, #tpu.memory_space<vmem>>) dst(%dma_wait3A_169 : memref<51200x8xf32, #tpu.memory_space<vmem_shared>>)
      %dma_wait3A_170 = arith.constant 1 : i32
      %dma_wait3A_171 = arith.constant 0 : i32
      %dma_wait3A_172 = tpu.memref_slice %arg12[%dma_wait3A_170, %dma_wait3A_171] : memref<20x128xi32, #tpu.memory_space<vmem>> -> memref<1x128xi32, #tpu.memory_space<vmem>>
      %dma_wait3A_173 = tpu.memref_squeeze %dma_wait3A_172 : memref<1x128xi32, #tpu.memory_space<vmem>> -> memref<128xi32, #tpu.memory_space<vmem>>
      %dma_wait3A_174 = arith.constant 0 : i32
      %dma_wait3A_175 = arith.constant 0 : i32
      %dma_wait3A_176 = tpu.memref_slice %arg14[%dma_wait3A_174, %dma_wait3A_175] : memref<51200x8xf32, #tpu.memory_space<vmem_shared>> -> memref<51200x8xf32, #tpu.memory_space<vmem_shared>>
      tpu.wait_indirect_dma semaphore(%arg16 : memref<!tpu.dma_semaphore, #tpu.memory_space<semaphore_mem>>) src(%arg13 : memref<128x8xf32, #tpu.memory_space<vmem>>) dst(%dma_wait3A_176 : memref<51200x8xf32, #tpu.memory_space<vmem_shared>>)
      %dma_wait3A_177 = arith.constant 2 : i32
      %dma_wait3A_178 = arith.constant 0 : i32
      %dma_wait3A_179 = tpu.memref_slice %arg12[%dma_wait3A_177, %dma_wait3A_178] : memref<20x128xi32, #tpu.memory_space<vmem>> -> memref<1x128xi32, #tpu.memory_space<vmem>>
      %dma_wait3A_180 = tpu.memref_squeeze %dma_wait3A_179 : memref<1x128xi32, #tpu.memory_space<vmem>> -> memref<128xi32, #tpu.memory_space<vmem>>
      %dma_wait3A_181 = arith.constant 0 : i32
      %dma_wait3A_182 = arith.constant 0 : i32
      %dma_wait3A_183 = tpu.memref_slice %arg14[%dma_wait3A_181, %dma_wait3A_182] : memref<51200x8xf32, #tpu.memory_space<vmem_shared>> -> memref<51200x8xf32, #tpu.memory_space<vmem_shared>>
      tpu.wait_indirect_dma semaphore(%arg16 : memref<!tpu.dma_semaphore, #tpu.memory_space<semaphore_mem>>) src(%arg13 : memref<128x8xf32, #tpu.memory_space<vmem>>) dst(%dma_wait3A_183 : memref<51200x8xf32, #tpu.memory_space<vmem_shared>>)
      %dma_wait3A_184 = arith.constant 3 : i32
      %dma_wait3A_185 = arith.constant 0 : i32
      %dma_wait3A_186 = tpu.memref_slice %arg12[%dma_wait3A_184, %dma_wait3A_185] : memref<20x128xi32, #tpu.memory_space<vmem>> -> memref<1x128xi32, #tpu.memory_space<vmem>>
      %dma_wait3A_187 = tpu.memref_squeeze %dma_wait3A_186 : memref<1x128xi32, #tpu.memory_space<vmem>> -> memref<128xi32, #tpu.memory_space<vmem>>
      %dma_wait3A_188 = arith.constant 0 : i32
      %dma_wait3A_189 = arith.constant 0 : i32
      %dma_wait3A_190 = tpu.memref_slice %arg14[%dma_wait3A_188, %dma_wait3A_189] : memref<51200x8xf32, #tpu.memory_space<vmem_shared>> -> memref<51200x8xf32, #tpu.memory_space<vmem_shared>>
      tpu.wait_indirect_dma semaphore(%arg16 : memref<!tpu.dma_semaphore, #tpu.memory_space<semaphore_mem>>) src(%arg13 : memref<128x8xf32, #tpu.memory_space<vmem>>) dst(%dma_wait3A_190 : memref<51200x8xf32, #tpu.memory_space<vmem_shared>>)
      %dma_wait3A_191 = arith.constant 4 : i32
      %dma_wait3A_192 = arith.constant 0 : i32
      %dma_wait3A_193 = tpu.memref_slice %arg12[%dma_wait3A_191, %dma_wait3A_192] : memref<20x128xi32, #tpu.memory_space<vmem>> -> memref<1x128xi32, #tpu.memory_space<vmem>>
      %dma_wait3A_194 = tpu.memref_squeeze %dma_wait3A_193 : memref<1x128xi32, #tpu.memory_space<vmem>> -> memref<128xi32, #tpu.memory_space<vmem>>
      %dma_wait3A_195 = arith.constant 0 : i32
      %dma_wait3A_196 = arith.constant 0 : i32
      %dma_wait3A_197 = tpu.memref_slice %arg14[%dma_wait3A_195, %dma_wait3A_196] : memref<51200x8xf32, #tpu.memory_space<vmem_shared>> -> memref<51200x8xf32, #tpu.memory_space<vmem_shared>>
      tpu.wait_indirect_dma semaphore(%arg16 : memref<!tpu.dma_semaphore, #tpu.memory_space<semaphore_mem>>) src(%arg13 : memref<128x8xf32, #tpu.memory_space<vmem>>) dst(%dma_wait3A_197 : memref<51200x8xf32, #tpu.memory_space<vmem_shared>>)
      %dma_wait3A_198 = arith.constant 5 : i32
      %dma_wait3A_199 = arith.constant 0 : i32
      %dma_wait3A_200 = tpu.memref_slice %arg12[%dma_wait3A_198, %dma_wait3A_199] : memref<20x128xi32, #tpu.memory_space<vmem>> -> memref<1x128xi32, #tpu.memory_space<vmem>>
      %dma_wait3A_201 = tpu.memref_squeeze %dma_wait3A_200 : memref<1x128xi32, #tpu.memory_space<vmem>> -> memref<128xi32, #tpu.memory_space<vmem>>
      %dma_wait3A_202 = arith.constant 0 : i32
      %dma_wait3A_203 = arith.constant 0 : i32
      %dma_wait3A_204 = tpu.memref_slice %arg14[%dma_wait3A_202, %dma_wait3A_203] : memref<51200x8xf32, #tpu.memory_space<vmem_shared>> -> memref<51200x8xf32, #tpu.memory_space<vmem_shared>>
      tpu.wait_indirect_dma semaphore(%arg16 : memref<!tpu.dma_semaphore, #tpu.memory_space<semaphore_mem>>) src(%arg13 : memref<128x8xf32, #tpu.memory_space<vmem>>) dst(%dma_wait3A_204 : memref<51200x8xf32, #tpu.memory_space<vmem_shared>>)
      %dma_wait3A_205 = arith.constant 6 : i32
      %dma_wait3A_206 = arith.constant 0 : i32
      %dma_wait3A_207 = tpu.memref_slice %arg12[%dma_wait3A_205, %dma_wait3A_206] : memref<20x128xi32, #tpu.memory_space<vmem>> -> memref<1x128xi32, #tpu.memory_space<vmem>>
      %dma_wait3A_208 = tpu.memref_squeeze %dma_wait3A_207 : memref<1x128xi32, #tpu.memory_space<vmem>> -> memref<128xi32, #tpu.memory_space<vmem>>
      %dma_wait3A_209 = arith.constant 0 : i32
      %dma_wait3A_210 = arith.constant 0 : i32
      %dma_wait3A_211 = tpu.memref_slice %arg14[%dma_wait3A_209, %dma_wait3A_210] : memref<51200x8xf32, #tpu.memory_space<vmem_shared>> -> memref<51200x8xf32, #tpu.memory_space<vmem_shared>>
      tpu.wait_indirect_dma semaphore(%arg16 : memref<!tpu.dma_semaphore, #tpu.memory_space<semaphore_mem>>) src(%arg13 : memref<128x8xf32, #tpu.memory_space<vmem>>) dst(%dma_wait3A_211 : memref<51200x8xf32, #tpu.memory_space<vmem_shared>>)
      %dma_wait3A_212 = arith.constant 7 : i32
      %dma_wait3A_213 = arith.constant 0 : i32
      %dma_wait3A_214 = tpu.memref_slice %arg12[%dma_wait3A_212, %dma_wait3A_213] : memref<20x128xi32, #tpu.memory_space<vmem>> -> memref<1x128xi32, #tpu.memory_space<vmem>>
      %dma_wait3A_215 = tpu.memref_squeeze %dma_wait3A_214 : memref<1x128xi32, #tpu.memory_space<vmem>> -> memref<128xi32, #tpu.memory_space<vmem>>
      %dma_wait3A_216 = arith.constant 0 : i32
      %dma_wait3A_217 = arith.constant 0 : i32
      %dma_wait3A_218 = tpu.memref_slice %arg14[%dma_wait3A_216, %dma_wait3A_217] : memref<51200x8xf32, #tpu.memory_space<vmem_shared>> -> memref<51200x8xf32, #tpu.memory_space<vmem_shared>>
      tpu.wait_indirect_dma semaphore(%arg16 : memref<!tpu.dma_semaphore, #tpu.memory_space<semaphore_mem>>) src(%arg13 : memref<128x8xf32, #tpu.memory_space<vmem>>) dst(%dma_wait3A_218 : memref<51200x8xf32, #tpu.memory_space<vmem_shared>>)
      %dma_wait3A_219 = arith.constant 8 : i32
      %dma_wait3A_220 = arith.constant 0 : i32
      %dma_wait3A_221 = tpu.memref_slice %arg12[%dma_wait3A_219, %dma_wait3A_220] : memref<20x128xi32, #tpu.memory_space<vmem>> -> memref<1x128xi32, #tpu.memory_space<vmem>>
      %dma_wait3A_222 = tpu.memref_squeeze %dma_wait3A_221 : memref<1x128xi32, #tpu.memory_space<vmem>> -> memref<128xi32, #tpu.memory_space<vmem>>
      %dma_wait3A_223 = arith.constant 0 : i32
      %dma_wait3A_224 = arith.constant 0 : i32
      %dma_wait3A_225 = tpu.memref_slice %arg14[%dma_wait3A_223, %dma_wait3A_224] : memref<51200x8xf32, #tpu.memory_space<vmem_shared>> -> memref<51200x8xf32, #tpu.memory_space<vmem_shared>>
      tpu.wait_indirect_dma semaphore(%arg16 : memref<!tpu.dma_semaphore, #tpu.memory_space<semaphore_mem>>) src(%arg13 : memref<128x8xf32, #tpu.memory_space<vmem>>) dst(%dma_wait3A_225 : memref<51200x8xf32, #tpu.memory_space<vmem_shared>>)
      %dma_wait3A_226 = arith.constant 9 : i32
      %dma_wait3A_227 = arith.constant 0 : i32
      %dma_wait3A_228 = tpu.memref_slice %arg12[%dma_wait3A_226, %dma_wait3A_227] : memref<20x128xi32, #tpu.memory_space<vmem>> -> memref<1x128xi32, #tpu.memory_space<vmem>>
      %dma_wait3A_229 = tpu.memref_squeeze %dma_wait3A_228 : memref<1x128xi32, #tpu.memory_space<vmem>> -> memref<128xi32, #tpu.memory_space<vmem>>
      %dma_wait3A_230 = arith.constant 0 : i32
      %dma_wait3A_231 = arith.constant 0 : i32
      %dma_wait3A_232 = tpu.memref_slice %arg14[%dma_wait3A_230, %dma_wait3A_231] : memref<51200x8xf32, #tpu.memory_space<vmem_shared>> -> memref<51200x8xf32, #tpu.memory_space<vmem_shared>>
      tpu.wait_indirect_dma semaphore(%arg16 : memref<!tpu.dma_semaphore, #tpu.memory_space<semaphore_mem>>) src(%arg13 : memref<128x8xf32, #tpu.memory_space<vmem>>) dst(%dma_wait3A_232 : memref<51200x8xf32, #tpu.memory_space<vmem_shared>>)
      %dma_wait3A_233 = arith.constant 10 : i32
      %dma_wait3A_234 = arith.constant 0 : i32
      %dma_wait3A_235 = tpu.memref_slice %arg12[%dma_wait3A_233, %dma_wait3A_234] : memref<20x128xi32, #tpu.memory_space<vmem>> -> memref<1x128xi32, #tpu.memory_space<vmem>>
      %dma_wait3A_236 = tpu.memref_squeeze %dma_wait3A_235 : memref<1x128xi32, #tpu.memory_space<vmem>> -> memref<128xi32, #tpu.memory_space<vmem>>
      %dma_wait3A_237 = arith.constant 0 : i32
      %dma_wait3A_238 = arith.constant 0 : i32
      %dma_wait3A_239 = tpu.memref_slice %arg14[%dma_wait3A_237, %dma_wait3A_238] : memref<51200x8xf32, #tpu.memory_space<vmem_shared>> -> memref<51200x8xf32, #tpu.memory_space<vmem_shared>>
      tpu.wait_indirect_dma semaphore(%arg16 : memref<!tpu.dma_semaphore, #tpu.memory_space<semaphore_mem>>) src(%arg13 : memref<128x8xf32, #tpu.memory_space<vmem>>) dst(%dma_wait3A_239 : memref<51200x8xf32, #tpu.memory_space<vmem_shared>>)
      %dma_wait3A_240 = arith.constant 11 : i32
      %dma_wait3A_241 = arith.constant 0 : i32
      %dma_wait3A_242 = tpu.memref_slice %arg12[%dma_wait3A_240, %dma_wait3A_241] : memref<20x128xi32, #tpu.memory_space<vmem>> -> memref<1x128xi32, #tpu.memory_space<vmem>>
      %dma_wait3A_243 = tpu.memref_squeeze %dma_wait3A_242 : memref<1x128xi32, #tpu.memory_space<vmem>> -> memref<128xi32, #tpu.memory_space<vmem>>
      %dma_wait3A_244 = arith.constant 0 : i32
      %dma_wait3A_245 = arith.constant 0 : i32
      %dma_wait3A_246 = tpu.memref_slice %arg14[%dma_wait3A_244, %dma_wait3A_245] : memref<51200x8xf32, #tpu.memory_space<vmem_shared>> -> memref<51200x8xf32, #tpu.memory_space<vmem_shared>>
      tpu.wait_indirect_dma semaphore(%arg16 : memref<!tpu.dma_semaphore, #tpu.memory_space<semaphore_mem>>) src(%arg13 : memref<128x8xf32, #tpu.memory_space<vmem>>) dst(%dma_wait3A_246 : memref<51200x8xf32, #tpu.memory_space<vmem_shared>>)
      %dma_wait3A_247 = arith.constant 12 : i32
      %dma_wait3A_248 = arith.constant 0 : i32
      %dma_wait3A_249 = tpu.memref_slice %arg12[%dma_wait3A_247, %dma_wait3A_248] : memref<20x128xi32, #tpu.memory_space<vmem>> -> memref<1x128xi32, #tpu.memory_space<vmem>>
      %dma_wait3A_250 = tpu.memref_squeeze %dma_wait3A_249 : memref<1x128xi32, #tpu.memory_space<vmem>> -> memref<128xi32, #tpu.memory_space<vmem>>
      %dma_wait3A_251 = arith.constant 0 : i32
      %dma_wait3A_252 = arith.constant 0 : i32
      %dma_wait3A_253 = tpu.memref_slice %arg14[%dma_wait3A_251, %dma_wait3A_252] : memref<51200x8xf32, #tpu.memory_space<vmem_shared>> -> memref<51200x8xf32, #tpu.memory_space<vmem_shared>>
      tpu.wait_indirect_dma semaphore(%arg16 : memref<!tpu.dma_semaphore, #tpu.memory_space<semaphore_mem>>) src(%arg13 : memref<128x8xf32, #tpu.memory_space<vmem>>) dst(%dma_wait3A_253 : memref<51200x8xf32, #tpu.memory_space<vmem_shared>>)
      %dma_wait3A_254 = arith.constant 13 : i32
      %dma_wait3A_255 = arith.constant 0 : i32
      %dma_wait3A_256 = tpu.memref_slice %arg12[%dma_wait3A_254, %dma_wait3A_255] : memref<20x128xi32, #tpu.memory_space<vmem>> -> memref<1x128xi32, #tpu.memory_space<vmem>>
      %dma_wait3A_257 = tpu.memref_squeeze %dma_wait3A_256 : memref<1x128xi32, #tpu.memory_space<vmem>> -> memref<128xi32, #tpu.memory_space<vmem>>
      %dma_wait3A_258 = arith.constant 0 : i32
      %dma_wait3A_259 = arith.constant 0 : i32
      %dma_wait3A_260 = tpu.memref_slice %arg14[%dma_wait3A_258, %dma_wait3A_259] : memref<51200x8xf32, #tpu.memory_space<vmem_shared>> -> memref<51200x8xf32, #tpu.memory_space<vmem_shared>>
      tpu.wait_indirect_dma semaphore(%arg16 : memref<!tpu.dma_semaphore, #tpu.memory_space<semaphore_mem>>) src(%arg13 : memref<128x8xf32, #tpu.memory_space<vmem>>) dst(%dma_wait3A_260 : memref<51200x8xf32, #tpu.memory_space<vmem_shared>>)
      %dma_wait3A_261 = arith.constant 14 : i32
      %dma_wait3A_262 = arith.constant 0 : i32
      %dma_wait3A_263 = tpu.memref_slice %arg12[%dma_wait3A_261, %dma_wait3A_262] : memref<20x128xi32, #tpu.memory_space<vmem>> -> memref<1x128xi32, #tpu.memory_space<vmem>>
      %dma_wait3A_264 = tpu.memref_squeeze %dma_wait3A_263 : memref<1x128xi32, #tpu.memory_space<vmem>> -> memref<128xi32, #tpu.memory_space<vmem>>
      %dma_wait3A_265 = arith.constant 0 : i32
      %dma_wait3A_266 = arith.constant 0 : i32
      %dma_wait3A_267 = tpu.memref_slice %arg14[%dma_wait3A_265, %dma_wait3A_266] : memref<51200x8xf32, #tpu.memory_space<vmem_shared>> -> memref<51200x8xf32, #tpu.memory_space<vmem_shared>>
      tpu.wait_indirect_dma semaphore(%arg16 : memref<!tpu.dma_semaphore, #tpu.memory_space<semaphore_mem>>) src(%arg13 : memref<128x8xf32, #tpu.memory_space<vmem>>) dst(%dma_wait3A_267 : memref<51200x8xf32, #tpu.memory_space<vmem_shared>>)
      %dma_wait3A_268 = arith.constant 15 : i32
      %dma_wait3A_269 = arith.constant 0 : i32
      %dma_wait3A_270 = tpu.memref_slice %arg12[%dma_wait3A_268, %dma_wait3A_269] : memref<20x128xi32, #tpu.memory_space<vmem>> -> memref<1x128xi32, #tpu.memory_space<vmem>>
      %dma_wait3A_271 = tpu.memref_squeeze %dma_wait3A_270 : memref<1x128xi32, #tpu.memory_space<vmem>> -> memref<128xi32, #tpu.memory_space<vmem>>
      %dma_wait3A_272 = arith.constant 0 : i32
      %dma_wait3A_273 = arith.constant 0 : i32
      %dma_wait3A_274 = tpu.memref_slice %arg14[%dma_wait3A_272, %dma_wait3A_273] : memref<51200x8xf32, #tpu.memory_space<vmem_shared>> -> memref<51200x8xf32, #tpu.memory_space<vmem_shared>>
      tpu.wait_indirect_dma semaphore(%arg16 : memref<!tpu.dma_semaphore, #tpu.memory_space<semaphore_mem>>) src(%arg13 : memref<128x8xf32, #tpu.memory_space<vmem>>) dst(%dma_wait3A_274 : memref<51200x8xf32, #tpu.memory_space<vmem_shared>>)
      %dma_wait3A_275 = arith.constant 16 : i32
      %dma_wait3A_276 = arith.constant 0 : i32
      %dma_wait3A_277 = tpu.memref_slice %arg12[%dma_wait3A_275, %dma_wait3A_276] : memref<20x128xi32, #tpu.memory_space<vmem>> -> memref<1x128xi32, #tpu.memory_space<vmem>>
      %dma_wait3A_278 = tpu.memref_squeeze %dma_wait3A_277 : memref<1x128xi32, #tpu.memory_space<vmem>> -> memref<128xi32, #tpu.memory_space<vmem>>
      %dma_wait3A_279 = arith.constant 0 : i32
      %dma_wait3A_280 = arith.constant 0 : i32
      %dma_wait3A_281 = tpu.memref_slice %arg14[%dma_wait3A_279, %dma_wait3A_280] : memref<51200x8xf32, #tpu.memory_space<vmem_shared>> -> memref<51200x8xf32, #tpu.memory_space<vmem_shared>>
      tpu.wait_indirect_dma semaphore(%arg16 : memref<!tpu.dma_semaphore, #tpu.memory_space<semaphore_mem>>) src(%arg13 : memref<128x8xf32, #tpu.memory_space<vmem>>) dst(%dma_wait3A_281 : memref<51200x8xf32, #tpu.memory_space<vmem_shared>>)
      %dma_wait3A_282 = arith.constant 17 : i32
      %dma_wait3A_283 = arith.constant 0 : i32
      %dma_wait3A_284 = tpu.memref_slice %arg12[%dma_wait3A_282, %dma_wait3A_283] : memref<20x128xi32, #tpu.memory_space<vmem>> -> memref<1x128xi32, #tpu.memory_space<vmem>>
      %dma_wait3A_285 = tpu.memref_squeeze %dma_wait3A_284 : memref<1x128xi32, #tpu.memory_space<vmem>> -> memref<128xi32, #tpu.memory_space<vmem>>
      %dma_wait3A_286 = arith.constant 0 : i32
      %dma_wait3A_287 = arith.constant 0 : i32
      %dma_wait3A_288 = tpu.memref_slice %arg14[%dma_wait3A_286, %dma_wait3A_287] : memref<51200x8xf32, #tpu.memory_space<vmem_shared>> -> memref<51200x8xf32, #tpu.memory_space<vmem_shared>>
      tpu.wait_indirect_dma semaphore(%arg16 : memref<!tpu.dma_semaphore, #tpu.memory_space<semaphore_mem>>) src(%arg13 : memref<128x8xf32, #tpu.memory_space<vmem>>) dst(%dma_wait3A_288 : memref<51200x8xf32, #tpu.memory_space<vmem_shared>>)
      %dma_wait3A_289 = arith.constant 18 : i32
      %dma_wait3A_290 = arith.constant 0 : i32
      %dma_wait3A_291 = tpu.memref_slice %arg12[%dma_wait3A_289, %dma_wait3A_290] : memref<20x128xi32, #tpu.memory_space<vmem>> -> memref<1x128xi32, #tpu.memory_space<vmem>>
      %dma_wait3A_292 = tpu.memref_squeeze %dma_wait3A_291 : memref<1x128xi32, #tpu.memory_space<vmem>> -> memref<128xi32, #tpu.memory_space<vmem>>
      %dma_wait3A_293 = arith.constant 0 : i32
      %dma_wait3A_294 = arith.constant 0 : i32
      %dma_wait3A_295 = tpu.memref_slice %arg14[%dma_wait3A_293, %dma_wait3A_294] : memref<51200x8xf32, #tpu.memory_space<vmem_shared>> -> memref<51200x8xf32, #tpu.memory_space<vmem_shared>>
      tpu.wait_indirect_dma semaphore(%arg16 : memref<!tpu.dma_semaphore, #tpu.memory_space<semaphore_mem>>) src(%arg13 : memref<128x8xf32, #tpu.memory_space<vmem>>) dst(%dma_wait3A_295 : memref<51200x8xf32, #tpu.memory_space<vmem_shared>>)
      %dma_wait3A_296 = arith.constant 19 : i32
      %dma_wait3A_297 = arith.constant 0 : i32
      %dma_wait3A_298 = tpu.memref_slice %arg12[%dma_wait3A_296, %dma_wait3A_297] : memref<20x128xi32, #tpu.memory_space<vmem>> -> memref<1x128xi32, #tpu.memory_space<vmem>>
      %dma_wait3A_299 = tpu.memref_squeeze %dma_wait3A_298 : memref<1x128xi32, #tpu.memory_space<vmem>> -> memref<128xi32, #tpu.memory_space<vmem>>
      %dma_wait3A_300 = arith.constant 0 : i32
      %dma_wait3A_301 = arith.constant 0 : i32
      %dma_wait3A_302 = tpu.memref_slice %arg14[%dma_wait3A_300, %dma_wait3A_301] : memref<51200x8xf32, #tpu.memory_space<vmem_shared>> -> memref<51200x8xf32, #tpu.memory_space<vmem_shared>>
      tpu.wait_indirect_dma semaphore(%arg16 : memref<!tpu.dma_semaphore, #tpu.memory_space<semaphore_mem>>) src(%arg13 : memref<128x8xf32, #tpu.memory_space<vmem>>) dst(%dma_wait3A_302 : memref<51200x8xf32, #tpu.memory_space<vmem_shared>>)
    }
    %scan3A_13 = arith.constant 10 : i32
    %barrier3A_14 = arith.constant 0 : index
    tpu.barrier barrier_id(%barrier3A_14)
    %mul3A_15 = arith.constant 3200 : i32
    %mul3A_16 = arith.muli %arg1, %mul3A_15 : i32
    %mul3A_17 = arith.constant 3200 : i32
    %mul3A_18 = arith.muli %arg1, %mul3A_17 : i32
    "tpu.region"() ({
      %run_scoped3A = tpu.sem_alloc : memref<!tpu.dma_semaphore, #tpu.memory_space<semaphore_mem>>
      %dma_start3A = arith.constant 0 : i32
      %dma_start3A_19 = tpu.memref_slice %arg8[%arg0, %mul3A_18, %dma_start3A] : memref<2x51200x8xf32, #tpu.memory_space<hbm>> -> memref<1x3200x8xf32, #tpu.memory_space<hbm>>
      %dma_start3A_20 = tpu.memref_squeeze %dma_start3A_19 : memref<1x3200x8xf32, #tpu.memory_space<hbm>> -> memref<3200x8xf32, #tpu.memory_space<hbm>>
      %dma_start3A_21 = arith.constant 0 : i32
      %dma_start3A_22 = tpu.memref_slice %arg14[%mul3A_16, %dma_start3A_21] : memref<51200x8xf32, #tpu.memory_space<vmem_shared>> -> memref<3200x8xf32, #tpu.memory_space<vmem_shared>>
      tpu.enqueue_dma source(%dma_start3A_22 : memref<3200x8xf32, #tpu.memory_space<vmem_shared>>) target(%dma_start3A_20 : memref<3200x8xf32, #tpu.memory_space<hbm>>) target_semaphore(%run_scoped3A : memref<!tpu.dma_semaphore, #tpu.memory_space<semaphore_mem>>)
      %dma_wait3A = arith.constant 0 : i32
      %dma_wait3A_23 = tpu.memref_slice %arg8[%arg0, %mul3A_18, %dma_wait3A] : memref<2x51200x8xf32, #tpu.memory_space<hbm>> -> memref<1x3200x8xf32, #tpu.memory_space<hbm>>
      %dma_wait3A_24 = tpu.memref_squeeze %dma_wait3A_23 : memref<1x3200x8xf32, #tpu.memory_space<hbm>> -> memref<3200x8xf32, #tpu.memory_space<hbm>>
      %dma_wait3A_25 = arith.constant 0 : i32
      %dma_wait3A_26 = tpu.memref_slice %arg14[%mul3A_16, %dma_wait3A_25] : memref<51200x8xf32, #tpu.memory_space<vmem_shared>> -> memref<3200x8xf32, #tpu.memory_space<vmem_shared>>
      tpu.wait_dma2 semaphore(%run_scoped3A : memref<!tpu.dma_semaphore, #tpu.memory_space<semaphore_mem>>) src(%dma_wait3A_26 : memref<3200x8xf32, #tpu.memory_space<vmem_shared>>) dst(%dma_wait3A_24 : memref<3200x8xf32, #tpu.memory_space<hbm>>)
      tpu.yield
    }) : () -> ()
    return
  }
}

</mosaic_0001>

<sc_bundles>
// kernel: _sc_prep.3.cloned.1.call-start
scs
__scs_entry_jumppad:
0x0: {  	(pc) =	sbr.rel $0x88, $3  }
0x1: {  	(tag) =	ssettag $0x0;
	lr =	simm.s32 $0x1  }
0x2: {  	[smem:$0x3F9C] =	sst lr;
	_ =	strace $0xD0000000  }
0x3: {  	_ = 	snop  }
0x4: {  	_ = 	snop  }
0x5: {  	_ = 	snop  }
0x6: {  	_ = 	snop  }
0x7: {  	_ = 	snop  }
__scs_overlays_trampoline_lowered:
0x8: {  	[smem:$0x3FAB] =	sst s0  }
0x9: {  	[smem:$0x3FAC] =	sst s1  }
0xa: {  	[smem:$0x3FAD] =	sst s2  }
0xb: {  	[smem:$0x3FAE] =	sst s3  }
0xc: {  	[smem:$0x3FAF] =	sst s4  }
0xd: {  	[smem:$0x3FB0] =	sst s5  }
0xe: {  	[smem:$0x3FB1] =	sst s6  }
0xf: {  	[smem:$0x3FB2] =	sst s7  }
0x10: {  	[smem:$0x3FB3] =	sst s8  }
0x11: {  	[smem:$0x3FB4] =	sst s9;
	s0 =	simm.s32 @!p0 $0x0  }
0x12: {  	s1 =	sld [smem:$0x3F9A];
	s0 =	simm.s32 @p0 $0x1  }
0x13: {  	[smem:$0x3FB5] =	sst s0;
	s0 =	simm.s32 @!p1 $0x0  }
0x14: {  	s2 =	sld [smem:$0x3F99];
	s0 =	simm.s32 @p1 $0x1  }
0x15: {  	[smem:$0x3FB6] =	sst s0;
	s0 =	simm.s32 @!p2 $0x0  }
0x16: {  	s3 =	sld [smem:$0x3FDB];
	s0 =	simm.s32 @p2 $0x1  }
0x17: {  	s4 =	simm.s32 $0x1BF5;
	[smem:$0x3FB8] =	sst s0  }
0x18: {  	s0 =	sld [smem:$0x3F9B];
	_ =	swait.ge [sflag:s4], $0x0  }
0x19: {  	s7 =	sld [smem:$0x3F9C]  }
0x1a: {  	s8 =	sadd.s32 $0xFFFFE003, lr  }
0x1b: {  	s9 =	sadd.s32 $0xFFFFFEF7, lr;
	s5 =	simm.s32 $0xFFFFFFFF;
	p2 =	slt.u32 s8, $0xFFFFF086  }
0x1c: {  	p1 =	slt.u32 s9, $0xF7A;
	s5 =	simm.s32 @!p2 $0x0  }
0x1d: {  	s5 =	simm.s32 @p1 $0x1;
	p0 =	seq.s32 s7, s2  }
0x1e: {  	s7 =	smul.u32 @!p0 $0xF7A, s2;
	p2 =	seq.s32 @!p0 s5, $0x0  }
0x1f: {  	s9 =	smul.u32 $0xF7A, s1;
	s8 =	simm.s32 @!p0 $0x1BF5;
	p2 =	por !p2, p0  }
0x20: {  	[sflag:s8] =	ssyncset.s32 @!p0 $0xFFFFF086;
	s6 =	sadd.s32 @!p0 s3, s7;
	s7 =	simm.s32 @!p0 $0x108  }
0x21: {  	s3 =	sadd.s32 s3, s9;
	s6 =	sadd.s32 @!p0 $0x88, s6;
	s7 =	simm.s32 @p2 $0x1082  }
0x22: {  	[simem:s7], [sflag:s8] =	dma.local @!p0 [hbm:s6], $0xF7A  }
0x23: {  	s9 =	sor.u32 $0xD0000000, s2;
	s6 =	simm.s32 $0x108;
	_ =	swait.ge @!p0 [sflag:s8], $0x0  }
0x24: {  	s3 =	sadd.s32 $0x88, s3;
	s6 =	simm.s32 @!p1 $0x1082;
	[sflag:s4] =	ssyncset.s32 $0xFFFFF086  }
0x25: {  	[simem:s6], [sflag:s4] =	dma.local [hbm:s3], $0xF7A  }
0x26: {  	[smem:$0x3F9C] =	sst s1;
	(tag) =	ssettag s2;
	_ =	strace s9  }
0x27: {  	s1 =	sld [smem:$0x3FAC]  }
0x28: {  	s2 =	sld [smem:$0x3FAD]  }
0x29: {  	s4 =	sld [smem:$0x3FAF]  }
0x2a: {  	p0 =	seq.s32 s5, $0x0;
	s5 =	sld [smem:$0x3FB0]  }
0x2b: {  	s6 =	sld [smem:$0x3FB1]  }
0x2c: {  	s7 =	sld [smem:$0x3FB2]  }
0x2d: {  	s3 =	simm.s32 $0x108;
	s8 =	sld [smem:$0x3FB3]  }
0x2e: {  	s3 =	simm.s32 @!p0 $0x1082;
	s9 =	sld [smem:$0x3FB4]  }
0x2f: {  	lr =	sadd.s32 s0, s3;
	s0 =	sld [smem:$0x3FAB]  }
0x30: {  	s3 =	sld [smem:$0x3FAE]  }
0x31: {  	[smem:$0x3FB7] =	sst s10  }
0x32: {  	s10 =	sld [smem:$0x3FB5];
	_ =	sdelay $0x3  }
0x33: {  	p0 =	seq.s32 s10, $0x1;
	s10 =	sld [smem:$0x3FB7];
	_ =	sdelay $0x3  }
0x34: {  	[smem:$0x3FB7] =	sst s10  }
0x35: {  	s10 =	sld [smem:$0x3FB6];
	_ =	sdelay $0x3  }
0x36: {  	p1 =	seq.s32 s10, $0x1;
	s10 =	sld [smem:$0x3FB7];
	_ =	sdelay $0x3  }
0x37: {  	[smem:$0x3FB7] =	sst s10  }
0x38: {  	s10 =	sld [smem:$0x3FB8]  }
0x39: {  	_ = 	snop;
	(pc) =	sbr.ind lr, $3  }
0x3a: {  	_ = 	snop  }
0x3b: {  	_ = 	snop  }
0x3c: {  	p2 =	seq.s32 s10, $0x1;
	s10 =	sld [smem:$0x3FB7]  }
0x3d: {  	_ =	shalt  }
0x3e: {  	_ =	shalt  }
0x3f: {  	_ =	shalt  }
0x40: {  	_ =	shalt  }
0x41: {  	_ =	shalt  }
0x42: {  	_ =	shalt  }
0x43: {  	_ =	shalt  }
0x44: {  	_ =	shalt  }
0x45: {  	_ =	shalt  }
0x46: {  	_ =	shalt  }
0x47: {  	_ =	shalt  }
0x48: {  	_ =	shalt  }
0x49: {  	_ =	shalt  }
0x4a: {  	_ =	shalt  }
0x4b: {  	_ =	shalt  }
0x4c: {  	_ =	shalt  }
0x4d: {  	_ =	shalt  }
0x4e: {  	_ =	shalt  }
0x4f: {  	_ =	shalt  }
0x50: {  	_ =	shalt  }
0x51: {  	_ =	shalt  }
0x52: {  	_ =	shalt  }
0x53: {  	_ =	shalt  }
0x54: {  	_ =	shalt  }
0x55: {  	_ =	shalt  }
0x56: {  	_ =	shalt  }
0x57: {  	_ =	shalt  }
0x58: {  	_ =	shalt  }
0x59: {  	_ =	shalt  }
0x5a: {  	_ =	shalt  }
0x5b: {  	_ =	shalt  }
0x5c: {  	_ =	shalt  }
0x5d: {  	_ =	shalt  }
0x5e: {  	_ =	shalt  }
0x5f: {  	_ =	shalt  }
0x60: {  	_ =	shalt  }
0x61: {  	_ =	shalt  }
0x62: {  	_ =	shalt  }
0x63: {  	_ =	shalt  }
0x64: {  	_ =	shalt  }
0x65: {  	_ =	shalt  }
0x66: {  	_ =	shalt  }
0x67: {  	_ =	shalt  }
0x68: {  	_ =	shalt  }
0x69: {  	_ =	shalt  }
0x6a: {  	_ =	shalt  }
0x6b: {  	_ =	shalt  }
0x6c: {  	_ =	shalt  }
0x6d: {  	_ =	shalt  }
0x6e: {  	_ =	shalt  }
0x6f: {  	_ =	shalt  }
0x70: {  	_ =	shalt  }
0x71: {  	_ =	shalt  }
0x72: {  	_ =	shalt  }
0x73: {  	_ =	shalt  }
0x74: {  	_ =	shalt  }
0x75: {  	_ =	shalt  }
0x76: {  	_ =	shalt  }
0x77: {  	_ =	shalt  }
0x78: {  	_ =	shalt  }
0x79: {  	_ =	shalt  }
0x7a: {  	_ =	shalt  }
0x7b: {  	_ =	shalt  }
0x7c: {  	_ =	shalt  }
0x7d: {  	_ =	shalt  }
0x7e: {  	_ =	shalt  }
0x7f: {  	_ =	shalt  }
0x80: {  	_ =	shalt  }
0x81: {  	_ =	shalt  }
0x82: {  	_ =	shalt  }
0x83: {  	_ =	shalt  }
0x84: {  	_ =	shalt  }
0x85: {  	_ =	shalt  }
0x86: {  	_ =	shalt  }
0x87: {  	_ =	shalt  }
.Lfunc_end0:
.L_simem_size_0:
called_computation_lowered:
.L_overlay_start_0:
0x88: {  	s2 =	sld [smem:$0x3FD9]  }
0x89: {  	s3 =	sld [smem:$0x3FFE];
	_ =	sdelay $0x1  }
0x8a: {  	s1 =	srdreg.scid  }
0x8b: {  	s0 =	sand.u32 $0x1, s1  }
0x8c: {  	s14 =	sshll.u32 s0, $0xA;
	s2 =	sadd.s32 s3, s2  }
0x8d: {  	s2 =	sadd.s32 s2, s14  }
0x8e: {  	[smem:$0x3FC3] =	sst s2  }
0x8f: {  	_ = 	snop  }
0x90: {  	s2 =	sld [smem:$0x3FD0];
	_ =	sdelay $0x1  }
0x91: {  	s15 =	sld [smem:$0x3FC9]  }
0x92: {  	s5 =	simm.s32 $0xA;
	s6 =	simm.s32 $0x10;
	s4 =	sld [smem:$0x3FC7]  }
0x93: {  	[smem:s6], [sflag:s5] =	dma.local [hbm:s2], $0x1  }
0x94: {  	_ =	swait.eq [sflag:s5], $0x1  }
0x95: {  	[sflag:s5] =	ssyncset.done $0x0  }
0x96: {  	s16 =	sld [smem:$0x10];
	[sflag:s5] =	ssyncadd.s32 $0xFFFFFFFF  }
0x97: {  	s17 =	sld [smem:$0x11];
	(tm) =	ssettm $0x1  }
0x98: {  	s18 =	sld [smem:$0x3FFB];
	_ =	sdelay $0x3  }
0x99: {  	_ =	strace s18  }
0x9a: {  	s6 =	sld [smem:$0x3FFC];
	_ =	sdelay $0x3  }
0x9b: {  	_ =	strace s6  }
0x9c: {  	s6 =	sld [smem:$0x3FFD];
	_ =	sdelay $0x3  }
0x9d: {  	_ =	strace s6  }
0x9e: {  	_ =	strace $0x8FFFFFFF  }
0x9f: {  	s19 =	sld [smem:$0x3FDB];
	_ =	sdelay $0x1  }
0xa0: {  	s7 =	simm.s32 $_scs_section_size  }
0xa1: {  	s8 =	simm.s32 $_size__tile_overlayer_lowered;
	s9 =	simm.s32 $_tile_overlayer_lowered  }
0xa2: {  	s22 =	simm.s32 $0x1BFF;
	s21 =	sshll.u32 s9, $0x1;
	s6 =	sadd.s32 s7, s19  }
0xa3: {  	s10 =	simm.s32 $0x0;
	s20 =	sshll.u32 s8, $0x1;
	s8 =	sadd.s32 s21, s6  }
0xa4: {  	[timem:s10], [sflag:s22] =	dma.local [hbm:s8], s20  }
0xa5: {  	_ =	swait.ge [sflag:s22], s20  }
0xa6: {  	s7 =	ssub.s32 $0x0, s20;
	[sflag:s22] =	ssyncset.done $0x0  }
0xa7: {  	[sflag:s22] =	ssyncadd.s32 s7;
	_ =	sdelay $0x1  }
0xa8: {  	s23 =	simm.s32 $0x1B8B  }
0xa9: {  	_ =	swait.ge [sflag:s23], $0x1  }
0xaa: {  	[sflag:s23] =	ssyncset.done $0x0  }
0xab: {  	s25 =	simm.s32 $0x1B8E;
	s24 =	sld [smem:$0x3FFE];
	[sflag:s23] =	ssyncadd.s32 $0xFFFFFFFF  }
0xac: {  	s26 =	simm.s32 $execute0_lowered;
	[smem:$0x3FD2] =	sst s25  }
0xad: {  	s8 =	sshll.u32 s26, $0x1;
	_ =	strace $0x80000046;
	[dreg:$0x1] =	wrdreg $0xFFFFFFFF  }
0xae: {  	s28 =	simm.s32 $_size_execute0_lowered;
	s6 =	sadd.s32 s6, s8;
	[dreg:$0x0] =	wrdreg $0x0  }
0xaf: {  	s8 =	sshll.u32 s28, $0x1;
	[dreg:$0x2] =	wrdreg s6  }
0xb0: {  	[dreg:$0x3] =	wrdreg s8  }
0xb1: {  	[dreg:$0x4] =	wrdreg $0xC0  }
0xb2: {  	_ =	task [dreg:s10], $0x5FFFF  }
0xb3: {  	[dreg:$0x1] =	wrdreg $0xFFFFFFFF  }
0xb4: {  	[dreg:$0x0] =	wrdreg $0x60  }
0xb5: {  	[dreg:$0x2] =	wrdreg s15  }
0xb6: {  	[dreg:$0x3] =	wrdreg s24  }
0xb7: {  	[dreg:$0x4] =	wrdreg s4  }
0xb8: {  	[dreg:$0x5] =	wrdreg s16  }
0xb9: {  	[dreg:$0x6] =	wrdreg s17  }
0xba: {  	[dreg:$0x7] =	wrdreg $0x63000  }
0xbb: {  	[dreg:$0x8] =	wrdreg $0x9  }
0xbc: {  	_ =	task.clear_ibuf [dreg:s10], $0x9FFFF;
	_ =	strace $0x90000046  }
0xbd: {  	s29 =	simm.s32 $0x9;
	_ =	strace $0x80000048  }
0xbe: {  	_ =	swait.ge [sflag:s29], $0x1  }
0xbf: {  	[sflag:s29] =	ssyncadd.s32 $0xFFFFFFFF  }
0xc0: {  	_ =	strace $0x90000048  }
0xc1: {  	_ =	sfence  }
0xc2: {  	s30 =	sld [smem:$0x0];
	_ =	sdelay $0x2  }
0xc3: {  	s31 =	sshll.u32 s1, $0xD;
	s1 =	sshrl.u32 s1, $0x2  }
0xc4: {  	s3 =	sand.u32 $0x4000, s31;
	s1 =	sadd.s32 s1, s30  }
0xc5: {  	s0 =	sor.u32 s3, s0;
	s1 =	sshll.u32 s1, $0x11  }
0xc6: {  	s0 =	sor.u32 s1, s0  }
0xc7: {  	s0 =	sadd.s32 $0x8F2B, s0  }
0xc8: {  	[sflag:s0] =	ssyncadd.remote.s32 $0x1  }
0xc9: {  	_ =	sfence.sel $0xFFFF  }
0xca: {  	[dreg:$0x0] =	wrdreg $0xFFFFFFFF;
	(pc) =	sbr.abs _section_cstart, $3  }
0xcb: {  	[dreg:$0x1] =	wrdreg $0xFFFFFFFF  }
0xcc: {  	_ =	task.clear_ibuf [dreg:s10], $0x2FFFF;
	_ =	strace $0x9FFFFFFF  }
0xcd: {  	(tm) =	ssettm $0x7FFFFFFF  }
tec
execute0_lowered:
.L_overlay_start_1:
0x0: {  	(tag) =	ssettag $0x1  }
0x1: {  	s0 =	rddreg [dreg:$0x0]  }
0x2: {  	s2 =	rddreg [dreg:$0x1]  }
0x3: {  	s4 =	rddreg [dreg:$0x2]  }
0x4: {  	s5 =	rddreg [dreg:$0x3]  }
0x5: {  	s6 =	rddreg [dreg:$0x4];
	s14 =	stileid.u32  }
0x6: {  	s1 =	rddreg [dreg:$0x5];
	s9 =	smul.u32 $0x6400, s14  }
0x7: {  	s3 =	simm.s32 $0x0;
	s7 =	srdreg.scid;
	s13 =	smul.u32 $0x19000, s14  }
0x8: {  	s30 =	simm.s32 $0x4500;
	s28 =	simm.s32 $0x5A80;
	s22 =	smul.u32 $0x190, s14  }
0x9: {  	[smem:$0x7FF] =	sst s3;
	s7 =	sand.u32 $0x1, s7;
	s25 =	smul.u32 $0x1900, s14  }
0xa: {  	s31 =	sadd.s32 $0xC00, s2;
	s12 =	sadd.s32 $0x1600, s2;
	s8 =	smul.u32 $0x190000, s7  }
0xb: {  	s2 =	sadd.s32 $0xA00, s2;
	s14 =	simm.s32 $0x5D00;
	s11 =	smul.u32 $0x64000, s7  }
0xc: {  	_ =	strace $0x80000047;
	[dreg:$0x8] =	wrdreg s12;
	s24 =	smul.u32 $0x101, s7  }
0xd: {  	s10 =	ssub.s32 $0x2, s7;
	[dreg:$0x9] =	wrdreg s2;
	s7 =	smul.u32 $0xC80, s7  }
0xe: {  	[dreg:$0x7] =	wrdreg s31;
	s29 =	sshrl.u32 s10, $0x1;
	s0 =	sadd.s32 s22, s0  }
0xf: {  	s22 =	simm.s32 $0x5E00;
	s12 =	ssub.s32 s10, s29;
	s15 =	sadd.s32 s9, s11  }
0x10: {  	s8 =	sadd.s32 s13, s8;
	s9 =	sadd.s32 s9, s1;
	s29 =	sadd.s32 s25, s4  }
0x11: {  	[dreg:$0x12] =	wrdreg s0;
	s0 =	simm.s32 $0x5F00;
	s25 =	simm.s32 $0x5A00  }
0x12: {  	s11 =	simm.s32 $0x5B80;
	s13 =	simm.s32 $0x5C80;
	v0 =	vmov s24;
	s24 =	simm.s32 $0x5E80  }
0x13: {  	s10 =	sshrl.u32 s15, $0x3;
	[dreg:$0xa] =	wrdreg s9;
	s16 =	sadd.s32 $0x4000, s8  }
0x14: {  	s2 =	smax.u32 s12, $0x1;
	s18 =	sadd.s32 $0x3000, s8;
	s20 =	sadd.s32 $0x2000, s8  }
0x15: {  	s23 =	sadd.s32 $0x1000, s8;
	s8 =	sshrl.u32 s8, $0x3;
	s12 =	simm.s32 $0x5C00  }
0x16: {  	s6 =	sadd.s32 s6, s10;
	[dreg:$0xc] =	wrdreg s2;
	s17 =	sshrl.u32 s16, $0x3  }
0x17: {  	s19 =	sshrl.u32 s18, $0x3;
	s21 =	sshrl.u32 s20, $0x3;
	s26 =	sadd.s32 s8, s5  }
0x18: {  	s16 =	sadd.s32 s7, s29;
	s18 =	simm.s32 $0x80;
	[dreg:$0xb] =	wrdreg s6  }
0x19: {  	s10 =	simm.s32 $0x5B00;
	s2 =	sadd.s32 s17, s5;
	[dreg:$0x11] =	wrdreg s26  }
0x1a: {  	s20 =	simm.s32 $0x5D80;
	[dreg:$0xd] =	wrdreg s2;
	s2 =	sadd.s32 s19, s5  }
0x1b: {  	s17 =	simm.s32 $0x4;
	[dreg:$0xe] =	wrdreg s2;
	s2 =	sadd.s32 s21, s5  }
0x1c: {  	s26 =	simm.s32 $0x2;
	[dreg:$0xf] =	wrdreg s2;
	s2 =	sshrl.u32 s23, $0x3  }
0x1d: {  	s21 =	simm.s32 $0x5900;
	s23 =	simm.s32 $0x5980;
	s2 =	sadd.s32 s2, s5  }
0x1e: {  	s5 =	simm.s32 $0x0;
	[dreg:$0x10] =	wrdreg s2;
	s2 =	simm.s32 $0x5500  }
.LBB2_1:
0x1f: {  	[dreg:$0x13] =	wrdreg s5  }
0x20: {  	s4 =	rddreg [dreg:$0x12]  }
0x21: {  	s29 =	simm.s32 $0x0;
	s5 =	simm.s32 $0x1;
	s6 =	simm.s32 $0x3  }
.LBB2_2:
0x22: {  	[tilespmem:s3], [sflag:$0x4] =	stream.linear.gather [hbm4b:s4+s3], $0x280, $0x38;
	[tilespmem:$0xC700] =	vst v63  }
0x23: {  	_ =	swait.ge [sflag:s17], $0x280  }
0x24: {  	[sflag:s17] =	ssyncset.done $0x0  }
0x25: {  	[sflag:s17] =	ssyncadd.s32 $0xFFFFFD80  }
0x26: {  	v1 =	vld [tilespmem:$0x0]  }
0x27: {  	v2 =	vld [tilespmem:$0x10]  }
0x28: {  	v3 =	vld [tilespmem:$0x20]  }
0x29: {  	v4 =	vld [tilespmem:$0x30]  }
0x2a: {  	v5 =	vld [tilespmem:$0x40]  }
0x2b: {  	v6 =	vld [tilespmem:$0x50];
	v1 =	vadd.s32 v0, v1  }
0x2c: {  	[tilespmem:$0x280] =	vst v1;
	v1 =	vadd.s32 v0, v2;
	v2 =	vld [tilespmem:$0x60]  }
0x2d: {  	[tilespmem:$0x290] =	vst v1;
	v1 =	vadd.s32 v0, v3;
	v3 =	vld [tilespmem:$0x70]  }
0x2e: {  	v44 =	vld [tilespmem:$0x80];
	[tilespmem:$0x2A0] =	vst v1;
	v1 =	vadd.s32 v0, v4  }
0x2f: {  	v45 =	vld [tilespmem:$0x90];
	[tilespmem:$0x2B0] =	vst v1;
	v1 =	vadd.s32 v0, v5  }
0x30: {  	v46 =	vld [tilespmem:$0xA0];
	[tilespmem:$0x2C0] =	vst v1;
	v1 =	vadd.s32 v0, v6  }
0x31: {  	[tilespmem:$0x2D0] =	vst v1;
	v1 =	vadd.s32 v0, v2;
	v2 =	vld [tilespmem:$0xB0]  }
0x32: {  	[tilespmem:$0x2E0] =	vst v1;
	v1 =	vadd.s32 v0, v3;
	v3 =	vld [tilespmem:$0xC0]  }
0x33: {  	v47 =	vld [tilespmem:$0xD0];
	[tilespmem:$0x2F0] =	vst v1;
	v1 =	vadd.s32 v0, v44  }
0x34: {  	v48 =	vld [tilespmem:$0xE0];
	[tilespmem:$0x300] =	vst v1;
	v1 =	vadd.s32 v0, v45  }
0x35: {  	v49 =	vld [tilespmem:$0xF0];
	[tilespmem:$0x310] =	vst v1;
	v1 =	vadd.s32 v0, v46  }
0x36: {  	[tilespmem:$0x320] =	vst v1;
	v1 =	vadd.s32 v0, v2;
	v2 =	vld [tilespmem:$0x100]  }
0x37: {  	[tilespmem:$0x330] =	vst v1;
	v1 =	vadd.s32 v0, v3;
	v3 =	vld [tilespmem:$0x110]  }
0x38: {  	v50 =	vld [tilespmem:$0x120];
	[tilespmem:$0x340] =	vst v1;
	v1 =	vadd.s32 v0, v47  }
0x39: {  	v51 =	vld [tilespmem:$0x130];
	[tilespmem:$0x350] =	vst v1;
	v1 =	vadd.s32 v0, v48  }
0x3a: {  	v52 =	vld [tilespmem:$0x140];
	[tilespmem:$0x360] =	vst v1;
	v1 =	vadd.s32 v0, v49  }
0x3b: {  	[tilespmem:$0x370] =	vst v1;
	v1 =	vadd.s32 v0, v2;
	v2 =	vld [tilespmem:$0x150]  }
0x3c: {  	[tilespmem:$0x380] =	vst v1;
	v1 =	vadd.s32 v0, v3;
	v3 =	vld [tilespmem:$0x160]  }
0x3d: {  	v53 =	vld [tilespmem:$0x170];
	[tilespmem:$0x390] =	vst v1;
	v1 =	vadd.s32 v0, v50  }
0x3e: {  	v54 =	vld [tilespmem:$0x180];
	[tilespmem:$0x3A0] =	vst v1;
	v1 =	vadd.s32 v0, v51  }
0x3f: {  	v55 =	vld [tilespmem:$0x190];
	[tilespmem:$0x3B0] =	vst v1;
	v1 =	vadd.s32 v0, v52  }
0x40: {  	[tilespmem:$0x3C0] =	vst v1;
	v1 =	vadd.s32 v0, v2;
	v2 =	vld [tilespmem:$0x1A0]  }
0x41: {  	[tilespmem:$0x3D0] =	vst v1;
	v1 =	vadd.s32 v0, v3;
	v3 =	vld [tilespmem:$0x1B0]  }
0x42: {  	v56 =	vld [tilespmem:$0x1C0];
	[tilespmem:$0x3E0] =	vst v1;
	v1 =	vadd.s32 v0, v53  }
0x43: {  	v57 =	vld [tilespmem:$0x1D0];
	[tilespmem:$0x3F0] =	vst v1;
	v1 =	vadd.s32 v0, v54  }
0x44: {  	v58 =	vld [tilespmem:$0x1E0];
	[tilespmem:$0x400] =	vst v1;
	v1 =	vadd.s32 v0, v55  }
0x45: {  	[tilespmem:$0x410] =	vst v1;
	v1 =	vadd.s32 v0, v2;
	v2 =	vld [tilespmem:$0x1F0]  }
0x46: {  	[tilespmem:$0x420] =	vst v1;
	v1 =	vadd.s32 v0, v3;
	v3 =	vld [tilespmem:$0x200]  }
0x47: {  	v59 =	vld [tilespmem:$0x210];
	[tilespmem:$0x430] =	vst v1;
	v1 =	vadd.s32 v0, v56  }
0x48: {  	v60 =	vld [tilespmem:$0x220];
	[tilespmem:$0x440] =	vst v1;
	v1 =	vadd.s32 v0, v57  }
0x49: {  	v61 =	vld [tilespmem:$0x230];
	[tilespmem:$0x450] =	vst v1;
	v1 =	vadd.s32 v0, v58  }
0x4a: {  	[tilespmem:$0x460] =	vst v1;
	v1 =	vadd.s32 v0, v2;
	v2 =	vld [tilespmem:$0x240]  }
0x4b: {  	[tilespmem:$0x470] =	vst v1;
	v1 =	vadd.s32 v0, v3;
	v3 =	vld [tilespmem:$0x250]  }
0x4c: {  	v62 =	vld [tilespmem:$0x260];
	[tilespmem:$0x480] =	vst v1;
	v1 =	vadd.s32 v0, v59  }
0x4d: {  	v63 =	vld [tilespmem:$0x270];
	[tilespmem:$0x490] =	vst v1;
	v1 =	vadd.s32 v0, v60  }
0x4e: {  	[tilespmem:$0x4A0] =	vst v1;
	v1 =	vadd.s32 v0, v61  }
0x4f: {  	[tilespmem:$0x4B0] =	vst v1;
	v1 =	vadd.s32 v0, v2  }
0x50: {  	[tilespmem:$0x4C0] =	vst v1;
	v1 =	vadd.s32 v0, v3  }
0x51: {  	[tilespmem:$0x4D0] =	vst v1;
	v1 =	vadd.s32 v0, v62  }
0x52: {  	[tilespmem:$0x4E0] =	vst v1;
	v1 =	vadd.s32 v0, v63  }
0x53: {  	s7 =	simm.s32 $0x280;
	s8 =	simm.s32 $0x500;
	[tilespmem:$0x4F0] =	vst v1  }
0x54: {  	[tilespmem:s8], [sflag:$0x1] =	stream.indirect.gather [hbm4b:s31+s18], $0x20, s7, s18, $0xb8;
	[tilespmem:$0xC700] =	vst v63  }
0x55: {  	s15 =	simm.s32 $0x300;
	s9 =	simm.s32 $0x1500  }
0x56: {  	[tilespmem:s9], [sflag:$0x1] =	stream.indirect.gather [hbm4b:s31+s18], $0x20, s15, s18, $0xb8;
	[tilespmem:$0xC700] =	vst v63  }
0x57: {  	s19 =	simm.s32 $0x380;
	s15 =	simm.s32 $0x2500  }
0x58: {  	[tilespmem:s15], [sflag:$0x1] =	stream.indirect.gather [hbm4b:s31+s18], $0x20, s19, s18, $0xb8;
	[tilespmem:$0xC700] =	vst v63  }
0x59: {  	s7 =	simm.s32 $0x400;
	s19 =	simm.s32 $0x3500  }
0x5a: {  	[tilespmem:s19], [sflag:$0x1] =	stream.indirect.gather [hbm4b:s31+s18], $0x20, s7, s18, $0xb8;
	[tilespmem:$0xC700] =	vst v63  }
0x5b: {  	s7 =	simm.s32 $0x480  }
0x5c: {  	[tilespmem:s30], [sflag:$0x1] =	stream.indirect.gather [hbm4b:s31+s18], $0x20, s7, s18, $0xb8;
	[tilespmem:$0xC700] =	vst v63  }
0x5d: {  	_ =	swait.ge [sflag:s5], $0x1000  }
0x5e: {  	[sflag:s5] =	ssyncset.done $0x0  }
0x5f: {  	[sflag:s5] =	ssyncadd.s32 $0xFFFFF000  }
0x60: {  	_ =	swait.ge [sflag:s5], $0x1000  }
0x61: {  	[sflag:s5] =	ssyncset.done $0x0  }
0x62: {  	[sflag:s5] =	ssyncadd.s32 $0xFFFFF000  }
0x63: {  	_ =	swait.ge [sflag:s5], $0x1000  }
0x64: {  	[sflag:s5] =	ssyncset.done $0x0  }
0x65: {  	[sflag:s5] =	ssyncadd.s32 $0xFFFFF000  }
0x66: {  	_ =	swait.ge [sflag:s5], $0x1000  }
0x67: {  	[sflag:s5] =	ssyncset.done $0x0  }
0x68: {  	[sflag:s5] =	ssyncadd.s32 $0xFFFFF000  }
0x69: {  	_ =	swait.ge [sflag:s5], $0x1000  }
0x6a: {  	[sflag:s5] =	ssyncset.done $0x0;
	s30 =	rddreg [dreg:$0x11]  }
0x6b: {  	[sflag:s5] =	ssyncadd.s32 $0xFFFFF000;
	s30 =	sadd.s32 s29, s30  }
0x6c: {  	[hbm4b:s30+s3] =	stream.linear.scatter [tilespmem:s8], [sflag:$0x3], $0x1000, $0x38;
	[tilespmem:$0xC700] =	vst v63  }
0x6d: {  	s30 =	rddreg [dreg:$0x10]  }
0x6e: {  	s30 =	sadd.s32 s29, s30  }
0x6f: {  	[hbm4b:s30+s3] =	stream.linear.scatter [tilespmem:s9], [sflag:$0x3], $0x1000, $0x38;
	[tilespmem:$0xC700] =	vst v63  }
0x70: {  	s30 =	rddreg [dreg:$0xf]  }
0x71: {  	s30 =	sadd.s32 s29, s30  }
0x72: {  	[hbm4b:s30+s3] =	stream.linear.scatter [tilespmem:s15], [sflag:$0x3], $0x1000, $0x38;
	[tilespmem:$0xC700] =	vst v63  }
0x73: {  	s30 =	rddreg [dreg:$0xe]  }
0x74: {  	s30 =	sadd.s32 s29, s30  }
0x75: {  	[hbm4b:s30+s3] =	stream.linear.scatter [tilespmem:s19], [sflag:$0x3], $0x1000, $0x38;
	[tilespmem:$0xC700] =	vst v63  }
0x76: {  	s30 =	rddreg [dreg:$0xd]  }
0x77: {  	s7 =	simm.s32 $0x4500;
	s30 =	sadd.s32 s29, s30  }
0x78: {  	[hbm4b:s30+s3] =	stream.linear.scatter [tilespmem:s7], [sflag:$0x3], $0x1000, $0x38;
	[tilespmem:$0xC700] =	vst v63  }
0x79: {  	_ =	swait.ge [sflag:s6], $0x1000  }
0x7a: {  	[sflag:s6] =	ssyncset.done $0x0  }
0x7b: {  	[sflag:s6] =	ssyncadd.s32 $0xFFFFF000  }
0x7c: {  	_ =	swait.ge [sflag:s6], $0x1000  }
0x7d: {  	[sflag:s6] =	ssyncset.done $0x0  }
0x7e: {  	[sflag:s6] =	ssyncadd.s32 $0xFFFFF000  }
0x7f: {  	_ =	swait.ge [sflag:s6], $0x1000  }
0x80: {  	[sflag:s6] =	ssyncset.done $0x0  }
0x81: {  	[sflag:s6] =	ssyncadd.s32 $0xFFFFF000  }
0x82: {  	p0 =	sne.s32 s29, $0x2800;
	_ =	swait.ge [sflag:s6], $0x1000  }
.Ltmp0:
0x83: {  	[sflag:s6] =	ssyncset.done $0x0;
	(pc) =	sbr.rel @p0 .LBB2_2-.Ltmp0, $4  }
0x84: {  	[sflag:s6] =	ssyncadd.s32 $0xFFFFF000  }
0x85: {  	_ =	swait.ge [sflag:s6], $0x1000  }
0x86: {  	s4 =	sadd.s32 $0x50, s4;
	[sflag:s6] =	ssyncset.done $0x0  }
0x87: {  	s29 =	sadd.s32 $0xA00, s29;
	s30 =	simm.s32 $0x4500;
	[sflag:s6] =	ssyncadd.s32 $0xFFFFF000  }
0x88: {  	s4 =	stileid.u32;
	s15 =	rddreg [dreg:$0xa]  }
0x89: {  	s19 =	rddreg [dreg:$0x8];
	s4 =	sshll.u32 s4, $0x6;
	s6 =	sshrl.u32 s15, $0x3  }
0x8a: {  	s5 =	sor.u32 $0x1C04, s4;
	[dreg:$0x15] =	wrdreg s6  }
0x8b: {  	[dreg:$0x14] =	wrdreg s5  }
0x8c: {  	[spmem:s6], [sflag:s5] =	dma.local [hbm:s19], $0xC80  }
0x8d: {  	_ =	swait.ge [sflag:s17], $0xC80  }
0x8e: {  	[sflag:s17] =	ssyncset.done $0x0  }
0x8f: {  	s30 =	simm.s32 $0x0;
	s29 =	rddreg [dreg:$0x9];
	[sflag:s17] =	ssyncadd.s32 $0xFFFFF380  }
0x90: {  	[tilespmem:s0], [sflag:$0x4] =	stream.linear.gather [hbm4b:s29+s30], $0x400, $0x38;
	[tilespmem:$0xC700] =	vst v63  }
0x91: {  	_ =	swait.ge [sflag:s17], $0x400  }
0x92: {  	[sflag:s17] =	ssyncset.done $0x0  }
0x93: {  	[sflag:s17] =	ssyncadd.s32 $0xFFFFFC00  }
0x94: {  	s31 =	sadd.s32 $0x0, s16;
	[bflag:$0x0] =	sbarrier.arrive $0xFFFF  }
0x95: {  	[tilespmem:s2], [sflag:$0x4] =	stream.linear.gather [hbm4b:s31+s3], $0xA00, $0x38;
	[tilespmem:$0xC700] =	vst v63  }
0x96: {  	_ =	swait.ge [sflag:s17], $0xA00  }
0x97: {  	[sflag:s17] =	ssyncset.done $0x0  }
0x98: {  	[sflag:s17] =	ssyncadd.s32 $0xFFFFF600  }
0x99: {  	[spmem:s1] =	stream.indirect.scatter.add.f32 [tilespmem:s0], [sflag:$0x2], $0x8, s2, s18, $0xb8;
	[tilespmem:$0xC700] =	vst v63  }
0x9a: {  	s5 =	simm.s32 $0x5580  }
0x9b: {  	[spmem:s1] =	stream.indirect.scatter.add.f32 [tilespmem:s0], [sflag:$0x2], $0x8, s5, s18, $0xb8;
	[tilespmem:$0xC700] =	vst v63  }
0x9c: {  	s6 =	simm.s32 $0x5600  }
0x9d: {  	[spmem:s1] =	stream.indirect.scatter.add.f32 [tilespmem:s0], [sflag:$0x2], $0x8, s6, s18, $0xb8;
	[tilespmem:$0xC700] =	vst v63  }
0x9e: {  	s7 =	simm.s32 $0x5680  }
0x9f: {  	[spmem:s1] =	stream.indirect.scatter.add.f32 [tilespmem:s0], [sflag:$0x2], $0x8, s7, s18, $0xb8;
	[tilespmem:$0xC700] =	vst v63  }
0xa0: {  	s8 =	simm.s32 $0x5700  }
0xa1: {  	[spmem:s1] =	stream.indirect.scatter.add.f32 [tilespmem:s0], [sflag:$0x2], $0x8, s8, s18, $0xb8;
	[tilespmem:$0xC700] =	vst v63  }
0xa2: {  	s9 =	simm.s32 $0x5780  }
0xa3: {  	[spmem:s1] =	stream.indirect.scatter.add.f32 [tilespmem:s0], [sflag:$0x2], $0x8, s9, s18, $0xb8;
	[tilespmem:$0xC700] =	vst v63  }
0xa4: {  	s15 =	simm.s32 $0x5800  }
0xa5: {  	[spmem:s1] =	stream.indirect.scatter.add.f32 [tilespmem:s0], [sflag:$0x2], $0x8, s15, s18, $0xb8;
	[tilespmem:$0xC700] =	vst v63  }
0xa6: {  	s19 =	simm.s32 $0x5880  }
0xa7: {  	[spmem:s1] =	stream.indirect.scatter.add.f32 [tilespmem:s0], [sflag:$0x2], $0x8, s19, s18, $0xb8;
	[tilespmem:$0xC700] =	vst v63  }
0xa8: {  	_ = 	snop  }
0xa9: {  	[spmem:s1] =	stream.indirect.scatter.add.f32 [tilespmem:s0], [sflag:$0x2], $0x8, s21, s18, $0xb8;
	[tilespmem:$0xC700] =	vst v63  }
0xaa: {  	_ = 	snop  }
0xab: {  	[spmem:s1] =	stream.indirect.scatter.add.f32 [tilespmem:s0], [sflag:$0x2], $0x8, s23, s18, $0xb8;
	[tilespmem:$0xC700] =	vst v63  }
0xac: {  	_ = 	snop  }
0xad: {  	[spmem:s1] =	stream.indirect.scatter.add.f32 [tilespmem:s0], [sflag:$0x2], $0x8, s25, s18, $0xb8;
	[tilespmem:$0xC700] =	vst v63  }
0xae: {  	_ = 	snop  }
0xaf: {  	[spmem:s1] =	stream.indirect.scatter.add.f32 [tilespmem:s0], [sflag:$0x2], $0x8, s28, s18, $0xb8;
	[tilespmem:$0xC700] =	vst v63  }
0xb0: {  	_ = 	snop  }
0xb1: {  	[spmem:s1] =	stream.indirect.scatter.add.f32 [tilespmem:s0], [sflag:$0x2], $0x8, s10, s18, $0xb8;
	[tilespmem:$0xC700] =	vst v63  }
0xb2: {  	_ = 	snop  }
0xb3: {  	[spmem:s1] =	stream.indirect.scatter.add.f32 [tilespmem:s0], [sflag:$0x2], $0x8, s11, s18, $0xb8;
	[tilespmem:$0xC700] =	vst v63  }
0xb4: {  	_ = 	snop  }
0xb5: {  	[spmem:s1] =	stream.indirect.scatter.add.f32 [tilespmem:s0], [sflag:$0x2], $0x8, s12, s18, $0xb8;
	[tilespmem:$0xC700] =	vst v63  }
0xb6: {  	_ = 	snop  }
0xb7: {  	[spmem:s1] =	stream.indirect.scatter.add.f32 [tilespmem:s0], [sflag:$0x2], $0x8, s13, s18, $0xb8;
	[tilespmem:$0xC700] =	vst v63  }
0xb8: {  	_ = 	snop  }
0xb9: {  	[spmem:s1] =	stream.indirect.scatter.add.f32 [tilespmem:s0], [sflag:$0x2], $0x8, s14, s18, $0xb8;
	[tilespmem:$0xC700] =	vst v63  }
0xba: {  	_ = 	snop  }
0xbb: {  	[spmem:s1] =	stream.indirect.scatter.add.f32 [tilespmem:s0], [sflag:$0x2], $0x8, s20, s18, $0xb8;
	[tilespmem:$0xC700] =	vst v63  }
0xbc: {  	_ = 	snop  }
0xbd: {  	[spmem:s1] =	stream.indirect.scatter.add.f32 [tilespmem:s0], [sflag:$0x2], $0x8, s22, s18, $0xb8;
	[tilespmem:$0xC700] =	vst v63  }
0xbe: {  	_ = 	snop  }
0xbf: {  	[spmem:s1] =	stream.indirect.scatter.add.f32 [tilespmem:s0], [sflag:$0x2], $0x8, s24, s18, $0xb8;
	[tilespmem:$0xC700] =	vst v63  }
0xc0: {  	_ =	swait.ge [sflag:s26], $0x400  }
0xc1: {  	[sflag:s26] =	ssyncset.done $0x0  }
0xc2: {  	[sflag:s26] =	ssyncadd.s32 $0xFFFFFC00  }
0xc3: {  	_ =	swait.ge [sflag:s26], $0x400  }
0xc4: {  	[sflag:s26] =	ssyncset.done $0x0  }
0xc5: {  	[sflag:s26] =	ssyncadd.s32 $0xFFFFFC00  }
0xc6: {  	_ =	swait.ge [sflag:s26], $0x400  }
0xc7: {  	[sflag:s26] =	ssyncset.done $0x0  }
0xc8: {  	[sflag:s26] =	ssyncadd.s32 $0xFFFFFC00  }
0xc9: {  	_ =	swait.ge [sflag:s26], $0x400  }
0xca: {  	[sflag:s26] =	ssyncset.done $0x0  }
0xcb: {  	[sflag:s26] =	ssyncadd.s32 $0xFFFFFC00  }
0xcc: {  	_ =	swait.ge [sflag:s26], $0x400  }
0xcd: {  	[sflag:s26] =	ssyncset.done $0x0  }
0xce: {  	[sflag:s26] =	ssyncadd.s32 $0xFFFFFC00  }
0xcf: {  	_ =	swait.ge [sflag:s26], $0x400  }
0xd0: {  	[sflag:s26] =	ssyncset.done $0x0  }
0xd1: {  	[sflag:s26] =	ssyncadd.s32 $0xFFFFFC00  }
0xd2: {  	_ =	swait.ge [sflag:s26], $0x400  }
0xd3: {  	[sflag:s26] =	ssyncset.done $0x0  }
0xd4: {  	[sflag:s26] =	ssyncadd.s32 $0xFFFFFC00  }
0xd5: {  	_ =	swait.ge [sflag:s26], $0x400  }
0xd6: {  	[sflag:s26] =	ssyncset.done $0x0  }
0xd7: {  	[sflag:s26] =	ssyncadd.s32 $0xFFFFFC00  }
0xd8: {  	_ =	swait.ge [sflag:s26], $0x400  }
0xd9: {  	[sflag:s26] =	ssyncset.done $0x0  }
0xda: {  	[sflag:s26] =	ssyncadd.s32 $0xFFFFFC00  }
0xdb: {  	_ =	swait.ge [sflag:s26], $0x400  }
0xdc: {  	[sflag:s26] =	ssyncset.done $0x0  }
0xdd: {  	[sflag:s26] =	ssyncadd.s32 $0xFFFFFC00  }
0xde: {  	_ =	swait.ge [sflag:s26], $0x400  }
0xdf: {  	[sflag:s26] =	ssyncset.done $0x0  }
0xe0: {  	[sflag:s26] =	ssyncadd.s32 $0xFFFFFC00  }
0xe1: {  	_ =	swait.ge [sflag:s26], $0x400  }
0xe2: {  	[sflag:s26] =	ssyncset.done $0x0  }
0xe3: {  	[sflag:s26] =	ssyncadd.s32 $0xFFFFFC00  }
0xe4: {  	_ =	swait.ge [sflag:s26], $0x400  }
0xe5: {  	[sflag:s26] =	ssyncset.done $0x0  }
0xe6: {  	[sflag:s26] =	ssyncadd.s32 $0xFFFFFC00  }
0xe7: {  	_ =	swait.ge [sflag:s26], $0x400  }
0xe8: {  	[sflag:s26] =	ssyncset.done $0x0  }
0xe9: {  	[sflag:s26] =	ssyncadd.s32 $0xFFFFFC00  }
0xea: {  	_ =	swait.ge [sflag:s26], $0x400  }
0xeb: {  	[sflag:s26] =	ssyncset.done $0x0  }
0xec: {  	[sflag:s26] =	ssyncadd.s32 $0xFFFFFC00  }
0xed: {  	_ =	swait.ge [sflag:s26], $0x400  }
0xee: {  	[sflag:s26] =	ssyncset.done $0x0  }
0xef: {  	[sflag:s26] =	ssyncadd.s32 $0xFFFFFC00  }
0xf0: {  	_ =	swait.ge [sflag:s26], $0x400  }
0xf1: {  	[sflag:s26] =	ssyncset.done $0x0  }
0xf2: {  	[sflag:s26] =	ssyncadd.s32 $0xFFFFFC00  }
0xf3: {  	_ =	swait.ge [sflag:s26], $0x400  }
0xf4: {  	[sflag:s26] =	ssyncset.done $0x0  }
0xf5: {  	[sflag:s26] =	ssyncadd.s32 $0xFFFFFC00  }
0xf6: {  	_ =	swait.ge [sflag:s26], $0x400  }
0xf7: {  	[sflag:s26] =	ssyncset.done $0x0  }
0xf8: {  	[sflag:s26] =	ssyncadd.s32 $0xFFFFFC00  }
0xf9: {  	_ =	swait.ge [sflag:s26], $0x400  }
0xfa: {  	s4 =	simm.s32 $0x280;
	s29 =	simm.s32 $0x140;
	[sflag:s26] =	ssyncset.done $0x0  }
.LBB2_4:
0xfb: {  	s31 =	sadd.s32 s29, s16  }
0xfc: {  	[sflag:s26] =	ssyncadd.s32 $0xFFFFFC00;
	s29 =	smov.u32 s4;
	s30 =	sadd.s32 $0x140, s4  }
0xfd: {  	[tilespmem:s2], [sflag:$0x4] =	stream.linear.gather [hbm4b:s31+s3], $0xA00, $0x38;
	[tilespmem:$0xC700] =	vst v63  }
0xfe: {  	p0 =	sne.s32 s4, $0xB40;
	_ =	swait.ge [sflag:s17], $0xA00  }
0xff: {  	[sflag:s17] =	ssyncset.done $0x0  }
0x100: {  	[sflag:s17] =	ssyncadd.s32 $0xFFFFF600  }
0x101: {  	[spmem:s1] =	stream.indirect.scatter.add.f32 [tilespmem:s0], [sflag:$0x2], $0x8, s2, s18, $0xb8;
	[tilespmem:$0xC700] =	vst v63  }
0x102: {  	_ = 	snop  }
0x103: {  	[spmem:s1] =	stream.indirect.scatter.add.f32 [tilespmem:s0], [sflag:$0x2], $0x8, s5, s18, $0xb8;
	[tilespmem:$0xC700] =	vst v63  }
0x104: {  	_ = 	snop  }
0x105: {  	[spmem:s1] =	stream.indirect.scatter.add.f32 [tilespmem:s0], [sflag:$0x2], $0x8, s6, s18, $0xb8;
	[tilespmem:$0xC700] =	vst v63  }
0x106: {  	_ = 	snop  }
0x107: {  	[spmem:s1] =	stream.indirect.scatter.add.f32 [tilespmem:s0], [sflag:$0x2], $0x8, s7, s18, $0xb8;
	[tilespmem:$0xC700] =	vst v63  }
0x108: {  	_ = 	snop  }
0x109: {  	[spmem:s1] =	stream.indirect.scatter.add.f32 [tilespmem:s0], [sflag:$0x2], $0x8, s8, s18, $0xb8;
	[tilespmem:$0xC700] =	vst v63  }
0x10a: {  	_ = 	snop  }
0x10b: {  	[spmem:s1] =	stream.indirect.scatter.add.f32 [tilespmem:s0], [sflag:$0x2], $0x8, s9, s18, $0xb8;
	[tilespmem:$0xC700] =	vst v63  }
0x10c: {  	_ = 	snop  }
0x10d: {  	[spmem:s1] =	stream.indirect.scatter.add.f32 [tilespmem:s0], [sflag:$0x2], $0x8, s15, s18, $0xb8;
	[tilespmem:$0xC700] =	vst v63  }
0x10e: {  	_ = 	snop  }
0x10f: {  	[spmem:s1] =	stream.indirect.scatter.add.f32 [tilespmem:s0], [sflag:$0x2], $0x8, s19, s18, $0xb8;
	[tilespmem:$0xC700] =	vst v63  }
0x110: {  	_ = 	snop  }
0x111: {  	[spmem:s1] =	stream.indirect.scatter.add.f32 [tilespmem:s0], [sflag:$0x2], $0x8, s21, s18, $0xb8;
	[tilespmem:$0xC700] =	vst v63  }
0x112: {  	_ = 	snop  }
0x113: {  	[spmem:s1] =	stream.indirect.scatter.add.f32 [tilespmem:s0], [sflag:$0x2], $0x8, s23, s18, $0xb8;
	[tilespmem:$0xC700] =	vst v63  }
0x114: {  	_ = 	snop  }
0x115: {  	[spmem:s1] =	stream.indirect.scatter.add.f32 [tilespmem:s0], [sflag:$0x2], $0x8, s25, s18, $0xb8;
	[tilespmem:$0xC700] =	vst v63  }
0x116: {  	_ = 	snop  }
0x117: {  	[spmem:s1] =	stream.indirect.scatter.add.f32 [tilespmem:s0], [sflag:$0x2], $0x8, s28, s18, $0xb8;
	[tilespmem:$0xC700] =	vst v63  }
0x118: {  	_ = 	snop  }
0x119: {  	[spmem:s1] =	stream.indirect.scatter.add.f32 [tilespmem:s0], [sflag:$0x2], $0x8, s10, s18, $0xb8;
	[tilespmem:$0xC700] =	vst v63  }
0x11a: {  	_ = 	snop  }
0x11b: {  	[spmem:s1] =	stream.indirect.scatter.add.f32 [tilespmem:s0], [sflag:$0x2], $0x8, s11, s18, $0xb8;
	[tilespmem:$0xC700] =	vst v63  }
0x11c: {  	_ = 	snop  }
0x11d: {  	[spmem:s1] =	stream.indirect.scatter.add.f32 [tilespmem:s0], [sflag:$0x2], $0x8, s12, s18, $0xb8;
	[tilespmem:$0xC700] =	vst v63  }
0x11e: {  	_ = 	snop  }
0x11f: {  	[spmem:s1] =	stream.indirect.scatter.add.f32 [tilespmem:s0], [sflag:$0x2], $0x8, s13, s18, $0xb8;
	[tilespmem:$0xC700] =	vst v63  }
0x120: {  	_ = 	snop  }
0x121: {  	[spmem:s1] =	stream.indirect.scatter.add.f32 [tilespmem:s0], [sflag:$0x2], $0x8, s14, s18, $0xb8;
	[tilespmem:$0xC700] =	vst v63  }
0x122: {  	_ = 	snop  }
0x123: {  	[spmem:s1] =	stream.indirect.scatter.add.f32 [tilespmem:s0], [sflag:$0x2], $0x8, s20, s18, $0xb8;
	[tilespmem:$0xC700] =	vst v63  }
0x124: {  	_ = 	snop  }
0x125: {  	[spmem:s1] =	stream.indirect.scatter.add.f32 [tilespmem:s0], [sflag:$0x2], $0x8, s22, s18, $0xb8;
	[tilespmem:$0xC700] =	vst v63  }
0x126: {  	_ = 	snop  }
0x127: {  	[spmem:s1] =	stream.indirect.scatter.add.f32 [tilespmem:s0], [sflag:$0x2], $0x8, s24, s18, $0xb8;
	[tilespmem:$0xC700] =	vst v63  }
0x128: {  	_ =	swait.ge [sflag:s26], $0x400  }
0x129: {  	[sflag:s26] =	ssyncset.done $0x0  }
0x12a: {  	[sflag:s26] =	ssyncadd.s32 $0xFFFFFC00  }
0x12b: {  	_ =	swait.ge [sflag:s26], $0x400  }
0x12c: {  	[sflag:s26] =	ssyncset.done $0x0  }
0x12d: {  	[sflag:s26] =	ssyncadd.s32 $0xFFFFFC00  }
0x12e: {  	_ =	swait.ge [sflag:s26], $0x400  }
0x12f: {  	[sflag:s26] =	ssyncset.done $0x0  }
0x130: {  	[sflag:s26] =	ssyncadd.s32 $0xFFFFFC00  }
0x131: {  	_ =	swait.ge [sflag:s26], $0x400  }
0x132: {  	[sflag:s26] =	ssyncset.done $0x0  }
0x133: {  	[sflag:s26] =	ssyncadd.s32 $0xFFFFFC00  }
0x134: {  	_ =	swait.ge [sflag:s26], $0x400  }
0x135: {  	[sflag:s26] =	ssyncset.done $0x0  }
0x136: {  	[sflag:s26] =	ssyncadd.s32 $0xFFFFFC00  }
0x137: {  	_ =	swait.ge [sflag:s26], $0x400  }
0x138: {  	[sflag:s26] =	ssyncset.done $0x0  }
0x139: {  	[sflag:s26] =	ssyncadd.s32 $0xFFFFFC00  }
0x13a: {  	_ =	swait.ge [sflag:s26], $0x400  }
0x13b: {  	[sflag:s26] =	ssyncset.done $0x0  }
0x13c: {  	[sflag:s26] =	ssyncadd.s32 $0xFFFFFC00  }
0x13d: {  	_ =	swait.ge [sflag:s26], $0x400  }
0x13e: {  	[sflag:s26] =	ssyncset.done $0x0  }
0x13f: {  	[sflag:s26] =	ssyncadd.s32 $0xFFFFFC00  }
0x140: {  	_ =	swait.ge [sflag:s26], $0x400  }
0x141: {  	[sflag:s26] =	ssyncset.done $0x0  }
0x142: {  	[sflag:s26] =	ssyncadd.s32 $0xFFFFFC00  }
0x143: {  	_ =	swait.ge [sflag:s26], $0x400  }
0x144: {  	[sflag:s26] =	ssyncset.done $0x0  }
0x145: {  	[sflag:s26] =	ssyncadd.s32 $0xFFFFFC00  }
0x146: {  	_ =	swait.ge [sflag:s26], $0x400  }
0x147: {  	[sflag:s26] =	ssyncset.done $0x0  }
0x148: {  	[sflag:s26] =	ssyncadd.s32 $0xFFFFFC00  }
0x149: {  	_ =	swait.ge [sflag:s26], $0x400  }
0x14a: {  	[sflag:s26] =	ssyncset.done $0x0  }
0x14b: {  	[sflag:s26] =	ssyncadd.s32 $0xFFFFFC00  }
0x14c: {  	_ =	swait.ge [sflag:s26], $0x400  }
0x14d: {  	[sflag:s26] =	ssyncset.done $0x0  }
0x14e: {  	[sflag:s26] =	ssyncadd.s32 $0xFFFFFC00  }
0x14f: {  	_ =	swait.ge [sflag:s26], $0x400  }
0x150: {  	[sflag:s26] =	ssyncset.done $0x0  }
0x151: {  	[sflag:s26] =	ssyncadd.s32 $0xFFFFFC00  }
0x152: {  	_ =	swait.ge [sflag:s26], $0x400  }
0x153: {  	[sflag:s26] =	ssyncset.done $0x0  }
0x154: {  	[sflag:s26] =	ssyncadd.s32 $0xFFFFFC00  }
0x155: {  	_ =	swait.ge [sflag:s26], $0x400  }
0x156: {  	[sflag:s26] =	ssyncset.done $0x0  }
0x157: {  	[sflag:s26] =	ssyncadd.s32 $0xFFFFFC00  }
0x158: {  	_ =	swait.ge [sflag:s26], $0x400  }
0x159: {  	[sflag:s26] =	ssyncset.done $0x0  }
0x15a: {  	[sflag:s26] =	ssyncadd.s32 $0xFFFFFC00  }
0x15b: {  	_ =	swait.ge [sflag:s26], $0x400  }
0x15c: {  	[sflag:s26] =	ssyncset.done $0x0  }
0x15d: {  	[sflag:s26] =	ssyncadd.s32 $0xFFFFFC00  }
.Ltmp1:
0x15e: {  	_ =	swait.ge [sflag:s26], $0x400;
	(pc) =	sbr.rel @p0 .LBB2_4-.Ltmp1, $4  }
0x15f: {  	[sflag:s26] =	ssyncset.done $0x0  }
0x160: {  	[sflag:s26] =	ssyncadd.s32 $0xFFFFFC00  }
0x161: {  	_ =	swait.ge [sflag:s26], $0x400  }
0x162: {  	s4 =	smov.u32 s30;
	[sflag:s26] =	ssyncset.done $0x0  }
0x163: {  	s4 =	sadd.s32 s29, s16;
	[sflag:s26] =	ssyncadd.s32 $0xFFFFFC00  }
0x164: {  	[tilespmem:s2], [sflag:$0x4] =	stream.linear.gather [hbm4b:s4+s3], $0xA00, $0x38;
	[tilespmem:$0xC700] =	vst v63  }
0x165: {  	_ =	swait.ge [sflag:s17], $0xA00  }
0x166: {  	[sflag:s17] =	ssyncset.done $0x0  }
0x167: {  	[sflag:s17] =	ssyncadd.s32 $0xFFFFF600  }
0x168: {  	[spmem:s1] =	stream.indirect.scatter.add.f32 [tilespmem:s0], [sflag:$0x2], $0x8, s2, s18, $0xb8;
	[tilespmem:$0xC700] =	vst v63  }
0x169: {  	_ = 	snop  }
0x16a: {  	[spmem:s1] =	stream.indirect.scatter.add.f32 [tilespmem:s0], [sflag:$0x2], $0x8, s5, s18, $0xb8;
	[tilespmem:$0xC700] =	vst v63  }
0x16b: {  	_ = 	snop  }
0x16c: {  	[spmem:s1] =	stream.indirect.scatter.add.f32 [tilespmem:s0], [sflag:$0x2], $0x8, s6, s18, $0xb8;
	[tilespmem:$0xC700] =	vst v63  }
0x16d: {  	_ = 	snop  }
0x16e: {  	[spmem:s1] =	stream.indirect.scatter.add.f32 [tilespmem:s0], [sflag:$0x2], $0x8, s7, s18, $0xb8;
	[tilespmem:$0xC700] =	vst v63  }
0x16f: {  	_ = 	snop  }
0x170: {  	[spmem:s1] =	stream.indirect.scatter.add.f32 [tilespmem:s0], [sflag:$0x2], $0x8, s8, s18, $0xb8;
	[tilespmem:$0xC700] =	vst v63  }
0x171: {  	_ = 	snop  }
0x172: {  	[spmem:s1] =	stream.indirect.scatter.add.f32 [tilespmem:s0], [sflag:$0x2], $0x8, s9, s18, $0xb8;
	[tilespmem:$0xC700] =	vst v63  }
0x173: {  	_ = 	snop  }
0x174: {  	[spmem:s1] =	stream.indirect.scatter.add.f32 [tilespmem:s0], [sflag:$0x2], $0x8, s15, s18, $0xb8;
	[tilespmem:$0xC700] =	vst v63  }
0x175: {  	_ = 	snop  }
0x176: {  	[spmem:s1] =	stream.indirect.scatter.add.f32 [tilespmem:s0], [sflag:$0x2], $0x8, s19, s18, $0xb8;
	[tilespmem:$0xC700] =	vst v63  }
0x177: {  	_ = 	snop  }
0x178: {  	[spmem:s1] =	stream.indirect.scatter.add.f32 [tilespmem:s0], [sflag:$0x2], $0x8, s21, s18, $0xb8;
	[tilespmem:$0xC700] =	vst v63  }
0x179: {  	_ = 	snop  }
0x17a: {  	[spmem:s1] =	stream.indirect.scatter.add.f32 [tilespmem:s0], [sflag:$0x2], $0x8, s23, s18, $0xb8;
	[tilespmem:$0xC700] =	vst v63  }
0x17b: {  	_ = 	snop  }
0x17c: {  	[spmem:s1] =	stream.indirect.scatter.add.f32 [tilespmem:s0], [sflag:$0x2], $0x8, s25, s18, $0xb8;
	[tilespmem:$0xC700] =	vst v63  }
0x17d: {  	_ = 	snop  }
0x17e: {  	[spmem:s1] =	stream.indirect.scatter.add.f32 [tilespmem:s0], [sflag:$0x2], $0x8, s28, s18, $0xb8;
	[tilespmem:$0xC700] =	vst v63  }
0x17f: {  	_ = 	snop  }
0x180: {  	[spmem:s1] =	stream.indirect.scatter.add.f32 [tilespmem:s0], [sflag:$0x2], $0x8, s10, s18, $0xb8;
	[tilespmem:$0xC700] =	vst v63  }
0x181: {  	_ = 	snop  }
0x182: {  	[spmem:s1] =	stream.indirect.scatter.add.f32 [tilespmem:s0], [sflag:$0x2], $0x8, s11, s18, $0xb8;
	[tilespmem:$0xC700] =	vst v63  }
0x183: {  	_ = 	snop  }
0x184: {  	[spmem:s1] =	stream.indirect.scatter.add.f32 [tilespmem:s0], [sflag:$0x2], $0x8, s12, s18, $0xb8;
	[tilespmem:$0xC700] =	vst v63  }
0x185: {  	_ = 	snop  }
0x186: {  	[spmem:s1] =	stream.indirect.scatter.add.f32 [tilespmem:s0], [sflag:$0x2], $0x8, s13, s18, $0xb8;
	[tilespmem:$0xC700] =	vst v63  }
0x187: {  	_ = 	snop  }
0x188: {  	[spmem:s1] =	stream.indirect.scatter.add.f32 [tilespmem:s0], [sflag:$0x2], $0x8, s14, s18, $0xb8;
	[tilespmem:$0xC700] =	vst v63  }
0x189: {  	_ = 	snop  }
0x18a: {  	[spmem:s1] =	stream.indirect.scatter.add.f32 [tilespmem:s0], [sflag:$0x2], $0x8, s20, s18, $0xb8;
	[tilespmem:$0xC700] =	vst v63  }
0x18b: {  	_ = 	snop  }
0x18c: {  	[spmem:s1] =	stream.indirect.scatter.add.f32 [tilespmem:s0], [sflag:$0x2], $0x8, s22, s18, $0xb8;
	[tilespmem:$0xC700] =	vst v63  }
0x18d: {  	_ = 	snop  }
0x18e: {  	[spmem:s1] =	stream.indirect.scatter.add.f32 [tilespmem:s0], [sflag:$0x2], $0x8, s24, s18, $0xb8;
	[tilespmem:$0xC700] =	vst v63  }
0x18f: {  	_ =	swait.ge [sflag:s26], $0x400  }
0x190: {  	[sflag:s26] =	ssyncset.done $0x0  }
0x191: {  	[sflag:s26] =	ssyncadd.s32 $0xFFFFFC00  }
0x192: {  	_ =	swait.ge [sflag:s26], $0x400  }
0x193: {  	[sflag:s26] =	ssyncset.done $0x0  }
0x194: {  	[sflag:s26] =	ssyncadd.s32 $0xFFFFFC00  }
0x195: {  	_ =	swait.ge [sflag:s26], $0x400  }
0x196: {  	[sflag:s26] =	ssyncset.done $0x0  }
0x197: {  	[sflag:s26] =	ssyncadd.s32 $0xFFFFFC00  }
0x198: {  	_ =	swait.ge [sflag:s26], $0x400  }
0x199: {  	[sflag:s26] =	ssyncset.done $0x0  }
0x19a: {  	[sflag:s26] =	ssyncadd.s32 $0xFFFFFC00  }
0x19b: {  	_ =	swait.ge [sflag:s26], $0x400  }
0x19c: {  	[sflag:s26] =	ssyncset.done $0x0  }
0x19d: {  	[sflag:s26] =	ssyncadd.s32 $0xFFFFFC00  }
0x19e: {  	_ =	swait.ge [sflag:s26], $0x400  }
0x19f: {  	[sflag:s26] =	ssyncset.done $0x0  }
0x1a0: {  	[sflag:s26] =	ssyncadd.s32 $0xFFFFFC00  }
0x1a1: {  	_ =	swait.ge [sflag:s26], $0x400  }
0x1a2: {  	[sflag:s26] =	ssyncset.done $0x0  }
0x1a3: {  	[sflag:s26] =	ssyncadd.s32 $0xFFFFFC00  }
0x1a4: {  	_ =	swait.ge [sflag:s26], $0x400  }
0x1a5: {  	[sflag:s26] =	ssyncset.done $0x0  }
0x1a6: {  	[sflag:s26] =	ssyncadd.s32 $0xFFFFFC00  }
0x1a7: {  	_ =	swait.ge [sflag:s26], $0x400  }
0x1a8: {  	[sflag:s26] =	ssyncset.done $0x0  }
0x1a9: {  	[sflag:s26] =	ssyncadd.s32 $0xFFFFFC00  }
0x1aa: {  	_ =	swait.ge [sflag:s26], $0x400  }
0x1ab: {  	[sflag:s26] =	ssyncset.done $0x0  }
0x1ac: {  	[sflag:s26] =	ssyncadd.s32 $0xFFFFFC00  }
0x1ad: {  	_ =	swait.ge [sflag:s26], $0x400  }
0x1ae: {  	[sflag:s26] =	ssyncset.done $0x0  }
0x1af: {  	[sflag:s26] =	ssyncadd.s32 $0xFFFFFC00  }
0x1b0: {  	_ =	swait.ge [sflag:s26], $0x400  }
0x1b1: {  	[sflag:s26] =	ssyncset.done $0x0  }
0x1b2: {  	[sflag:s26] =	ssyncadd.s32 $0xFFFFFC00  }
0x1b3: {  	_ =	swait.ge [sflag:s26], $0x400  }
0x1b4: {  	[sflag:s26] =	ssyncset.done $0x0  }
0x1b5: {  	[sflag:s26] =	ssyncadd.s32 $0xFFFFFC00  }
0x1b6: {  	_ =	swait.ge [sflag:s26], $0x400  }
0x1b7: {  	[sflag:s26] =	ssyncset.done $0x0  }
0x1b8: {  	[sflag:s26] =	ssyncadd.s32 $0xFFFFFC00  }
0x1b9: {  	_ =	swait.ge [sflag:s26], $0x400  }
0x1ba: {  	[sflag:s26] =	ssyncset.done $0x0  }
0x1bb: {  	[sflag:s26] =	ssyncadd.s32 $0xFFFFFC00  }
0x1bc: {  	_ =	swait.ge [sflag:s26], $0x400  }
0x1bd: {  	[sflag:s26] =	ssyncset.done $0x0  }
0x1be: {  	[sflag:s26] =	ssyncadd.s32 $0xFFFFFC00  }
0x1bf: {  	_ =	swait.ge [sflag:s26], $0x400  }
0x1c0: {  	[sflag:s26] =	ssyncset.done $0x0  }
0x1c1: {  	[sflag:s26] =	ssyncadd.s32 $0xFFFFFC00  }
0x1c2: {  	_ =	swait.ge [sflag:s26], $0x400  }
0x1c3: {  	[sflag:s26] =	ssyncset.done $0x0  }
0x1c4: {  	[sflag:s26] =	ssyncadd.s32 $0xFFFFFC00  }
0x1c5: {  	_ =	swait.ge [sflag:s26], $0x400  }
0x1c6: {  	[sflag:s26] =	ssyncset.done $0x0  }
0x1c7: {  	[sflag:s26] =	ssyncadd.s32 $0xFFFFFC00  }
0x1c8: {  	_ =	swait.ge [sflag:s26], $0x400  }
0x1c9: {  	[sflag:s26] =	ssyncset.done $0x0  }
0x1ca: {  	[sflag:s26] =	ssyncadd.s32 $0xFFFFFC00  }
0x1cb: {  	[bflag:$0x0] =	sbarrier.arrive $0xFFFF  }
0x1cc: {  	s8 =	rddreg [dreg:$0xb]  }
0x1cd: {  	s9 =	rddreg [dreg:$0x14]  }
0x1ce: {  	s15 =	rddreg [dreg:$0x15]  }
0x1cf: {  	[hbm:s8], [sflag:s9] =	dma.local [spmem:s15], $0xC80  }
0x1d0: {  	_ =	swait.ge [sflag:s17], $0xC80  }
0x1d1: {  	s19 =	rddreg [dreg:$0x13]  }
0x1d2: {  	s29 =	rddreg [dreg:$0xc];
	s5 =	sadd.s32 $0x1, s19  }
0x1d3: {  	p0 =	sne.s32 s5, s29  }
.Ltmp2:
0x1d4: {  	_ = 	snop;
	(pc) =	sbr.rel @p0 .LBB2_1-.Ltmp2, $3  }
0x1d5: {  	_ =	sdelay $0x1  }
0x1d6: {  	[sflag:s17] =	ssyncset.done $0x0  }
0x1d7: {  	s30 =	simm.s32 $0x4500;
	s31 =	rddreg [dreg:$0x7];
	[sflag:s17] =	ssyncadd.s32 $0xFFFFF380  }
0x1d8: {  	_ =	sfence.sel $0x180000  }
0x1d9: {  	[bflag:$0x0] =	sbarrier.arrive $0xFFFF  }
0x1da: {  	_ =	strace $0x90000047  }
0x1db: {  	s0 =	stileid.u32;
	[bflag:$0x2] =	sbarrier.arrive $0xFFFF  }
0x1dc: {  	p0 =	sne.s32 s0, $0x0;
	s0 =	rddreg [dreg:$0x6]  }
0x1dd: {  	s0 =	sadd.s32 @!p0 $0x100000, s0  }
0x1de: {  	[sflag:s0] =	ssyncadd.tile.s32 @!p0 $0x1;
	_ =	shalt  }
.Lfunc_end2:
_tile_overlayer_lowered:
.L_overlay_start_2:
0x1df: {  	(tag) =	ssettag $0x2  }
0x1e0: {  	s0 =	rddreg [dreg:$0x0];
	s2 =	stileid.u32  }
0x1e1: {  	s1 =	rddreg [dreg:$0x1];
	p0 =	sne.s32 s2, $0x0  }
0x1e2: {  	s3 =	rddreg [dreg:$0x2];
	[bflag:$0x3] =	sbarrier.arrive $0xFFFF;
	s2 =	simm.s32 @!p0 $0x1C04  }
0x1e3: {  	[timem:s3], [sflag:s2] =	dma.local @!p0 [hbm:s0], s1  }
0x1e4: {  	s0 =	simm.s32 @!p0 $0x4  }
0x1e5: {  	_ =	swait.ge @!p0 [sflag:s0], s1  }
0x1e6: {  	s1 =	ssub.s32 @!p0 $0x0, s1;
	[sflag:s0] =	ssyncset.done @!p0 $0x0  }
0x1e7: {  	[sflag:s0] =	ssyncadd.s32 @!p0 s1  }
0x1e8: {  	[bflag:$0x3] =	sbarrier.arrive $0xFFFF  }
0x1e9: {  	_ =	shalt  }

</sc_bundles>
